<compile_context>
chip_gen: v7x
topology: tpu7x:2x2x1
jax: 0.10.2.dev20260603
libtpu: 0.0.44.dev20260713+nightly
codegen_flags: <defaults>
</compile_context>

<pallas_src>
import jax
import jax.numpy as jnp
from jax import lax
from jax.experimental import pallas as pl
from jax.experimental.pallas import tpu as pltpu
from jax.experimental.pallas import tpu_sc as plsc

D_MODEL = 768
N_EXPERTS = 8
TOP_K = 2
BALANCE_LOSS_WEIGHT = 0.01
CAPACITY_FACTOR = 1.25

BM = 4096
N_SC = 2048
NUM_TILES = 32
LANES = 16
NT = N_SC // NUM_TILES
CHUNK = 16
KCH = D_MODEL // LANES



def _tc_body(wt_ref, x_ref, logits_ref, idx_ref, prob_ref, part_ref, n_tc):
    i = pl.program_id(0)
    wt = wt_ref[...]
    logits = jnp.dot(x_ref[...], wt, preferred_element_type=jnp.float32)
    lt = logits.T
    logits_ref[...] = lt

    iota = lax.broadcasted_iota(jnp.int32, (N_EXPERTS, BM), 0)
    m1 = jnp.max(lt, axis=0, keepdims=True)
    i1 = jnp.min(jnp.where(lt == m1, iota, N_EXPERTS), axis=0, keepdims=True)
    masked = jnp.where(iota == i1, -jnp.inf, lt)
    m2 = jnp.max(masked, axis=0, keepdims=True)
    i2 = jnp.min(jnp.where(masked == m2, iota, N_EXPERTS), axis=0, keepdims=True)

    t = jnp.exp(m2 - m1)
    denom2 = 1.0 + t
    idx_ref[...] = jnp.concatenate([i1, i2], axis=0)
    prob_ref[...] = jnp.concatenate([1.0 / denom2, t / denom2], axis=0)

    tid = i * BM + lax.broadcasted_iota(jnp.int32, (N_EXPERTS, BM), 1)
    valid = tid < n_tc
    e = jnp.exp(lt - m1)
    gp = jnp.where(valid, e / jnp.sum(e, axis=0, keepdims=True), 0.0)
    ps_blk = jnp.sum(gp, axis=1, keepdims=True)
    one = jnp.where(valid, 1.0, 0.0)
    cnt_blk = (jnp.sum(jnp.where(iota == i1, one, 0.0), axis=1, keepdims=True)
               + jnp.sum(jnp.where(iota == i2, one, 0.0), axis=1, keepdims=True))

    part_ref[...] = jnp.concatenate([cnt_blk, ps_blk], axis=1)[None]


def _tc_router(x_flat, wt, n_tc):
    nsteps = (n_tc + BM - 1) // BM
    body = lambda *refs: _tc_body(*refs, n_tc)
    return pl.pallas_call(
        body,
        grid=(nsteps,),
        in_specs=[
            pl.BlockSpec((D_MODEL, N_EXPERTS), lambda i: (0, 0)),
            pl.BlockSpec((BM, D_MODEL), lambda i: (i, 0)),
        ],
        out_specs=[
            pl.BlockSpec((N_EXPERTS, BM), lambda i: (0, i)),
            pl.BlockSpec((TOP_K, BM), lambda i: (0, i)),
            pl.BlockSpec((TOP_K, BM), lambda i: (0, i)),
            pl.BlockSpec((1, N_EXPERTS, 2), lambda i: (i, 0, 0)),
        ],
        out_shape=[
            jax.ShapeDtypeStruct((N_EXPERTS, n_tc), jnp.float32),
            jax.ShapeDtypeStruct((TOP_K, n_tc), jnp.int32),
            jax.ShapeDtypeStruct((TOP_K, n_tc), jnp.float32),
            jax.ShapeDtypeStruct((nsteps, N_EXPERTS, 2), jnp.float32),
        ],
        compiler_params=pltpu.CompilerParams(
            dimension_semantics=("parallel",),
        ),
    )(wt, x_flat)



def _perm(v, idx):
    return lax.gather(
        v, idx.reshape(LANES, 1),
        lax.GatherDimensionNumbers(offset_dims=(), collapsed_slice_dims=(0,),
                                   start_index_map=(0,)),
        (1,), mode=lax.GatherScatterMode.PROMISE_IN_BOUNDS)


def _bf16_round(v):
    u = lax.bitcast_convert_type(v, jnp.int32)
    lsb = lax.bitwise_and(lax.shift_right_logical(u, 16), 1)
    r = u + jnp.int32(0x7FFF) + lsb
    r = lax.bitwise_and(r, jnp.int32(-65536))
    return lax.bitcast_convert_type(r, jnp.float32)


def _sc_body(x_hbm, w_hbm, lg_hbm, i1_hbm, i2_hbm, p1_hbm, p2_hbm, part_hbm,
             w_v, x_v, lg_v, i1_v, i2_v, p1_v, p2_v, acc_v):
    wid = lax.axis_index("s") * 2 + lax.axis_index("c")
    sc_base = x_hbm.shape[0] - N_SC
    row0 = sc_base + wid * NT

    pltpu.sync_copy(w_hbm, w_v)

    def w_round(kc, _):
        ks = pl.ds(kc * LANES, LANES)
        for e in range(N_EXPERTS):
            w_v[e, ks] = _bf16_round(w_v[e, ks])
        return 0

    lax.fori_loop(0, KCH, w_round, 0)

    iota = lax.iota(jnp.int32, LANES)
    iota8 = lax.bitwise_and(iota, 7)
    cperm = lax.bitwise_and(iota, 1) * 8
    zero = jnp.zeros((LANES,), jnp.float32)
    neg_inf = jnp.full((LANES,), -jnp.inf, jnp.float32)

    acc_v[0, :] = zero
    acc_v[1, :] = zero

    def butterfly_sum16(vs):
        d = 1
        while len(vs) > 1:
            bit = lax.bitwise_and(iota, d) == 0
            pidx = lax.bitwise_xor(iota, d)
            nxt = []
            for j in range(0, len(vs), 2):
                a, b = vs[j], vs[j + 1]
                s = jnp.where(bit, a, b)
                p = jnp.where(bit, _perm(a, pidx), _perm(b, pidx))
                nxt.append(s + p)
            vs = nxt
            d *= 2
        return vs[0]

    def half_sum(v):
        for d in (1, 2, 4):
            v = v + _perm(v, lax.bitwise_xor(iota, d))
        return v

    def half_argmax(val, ind):
        for d in (1, 2, 4):
            pidx = lax.bitwise_xor(iota, d)
            pv = _perm(val, pidx)
            pi = _perm(ind, pidx)
            take = jnp.logical_or(pv > val,
                                  jnp.logical_and(pv == val, pi < ind))
            val = jnp.where(take, pv, val)
            ind = jnp.where(take, pi, ind)
        return val, ind

    def chunk_body(c, _):
        tok0 = c * CHUNK
        pltpu.sync_copy(x_hbm.at[pl.ds(row0 + tok0, CHUNK)], x_v)

        def pair_body(p, carry):
            ci1, ci2, cp1, cp2 = carry
            t0 = 2 * p

            def k_body(k4, accs):
                accs = list(accs)
                for u in range(4):
                    ks = pl.ds(k4 * (4 * LANES) + u * LANES, LANES)
                    xa = _bf16_round(x_v[t0, ks])
                    xb = _bf16_round(x_v[t0 + 1, ks])
                    for e in range(N_EXPERTS):
                        wv = w_v[e, ks]
                        accs[e] = accs[e] + xa * wv
                        accs[N_EXPERTS + e] = accs[N_EXPERTS + e] + xb * wv
                return tuple(accs)

            accs = lax.fori_loop(
                0, KCH // 4, k_body,
                tuple(zero for _ in range(2 * N_EXPERTS)))

            v = butterfly_sum16(list(accs))
            lg_v[pl.ds((tok0 + t0) * N_EXPERTS, 2 * N_EXPERTS)] = v

            m1, i1 = half_argmax(v, iota8)
            masked = jnp.where(iota8 == i1, neg_inf, v)
            m2, i2 = half_argmax(masked, iota8)

            t = jnp.exp(m2 - m1)
            d2 = 1.0 + t
            p1 = 1.0 / d2
            p2 = t / d2

            ex = jnp.exp(v - m1)
            gp = ex / half_sum(ex)
            cnt = (jnp.where(iota8 == i1, 1.0, 0.0)
                   + jnp.where(iota8 == i2, 1.0, 0.0))
            acc_v[0, :] = acc_v[0, :] + cnt
            acc_v[1, :] = acc_v[1, :] + gp

            mask = jnp.logical_or(iota == t0, iota == t0 + 1)
            ci1 = jnp.where(mask, _perm(i1, cperm), ci1)
            ci2 = jnp.where(mask, _perm(i2, cperm), ci2)
            cp1 = jnp.where(mask, _perm(p1, cperm), cp1)
            cp2 = jnp.where(mask, _perm(p2, cperm), cp2)
            return ci1, ci2, cp1, cp2

        izero = jnp.zeros((LANES,), jnp.int32)
        ci1, ci2, cp1, cp2 = lax.fori_loop(
            0, CHUNK // 2, pair_body, (izero, izero, zero, zero))
        ts = pl.ds(tok0, CHUNK)
        i1_v[ts] = ci1
        i2_v[ts] = ci2
        p1_v[ts] = cp1
        p2_v[ts] = cp2
        return 0

    lax.fori_loop(0, NT // CHUNK, chunk_body, 0)

    out_tok = pl.ds(wid * NT, NT)
    pltpu.sync_copy(lg_v, lg_hbm.at[pl.ds(wid * NT * N_EXPERTS, NT * N_EXPERTS)])
    pltpu.sync_copy(i1_v, i1_hbm.at[out_tok])
    pltpu.sync_copy(i2_v, i2_hbm.at[out_tok])
    pltpu.sync_copy(p1_v, p1_hbm.at[out_tok])
    pltpu.sync_copy(p2_v, p2_hbm.at[out_tok])
    pltpu.sync_copy(acc_v, part_hbm.at[wid])


def _sc_router(x_flat, gate_w):
    mesh = plsc.VectorSubcoreMesh(core_axis_name="c", subcore_axis_name="s")
    f = pl.kernel(
        _sc_body,
        out_type=[
            jax.ShapeDtypeStruct((N_SC * N_EXPERTS,), jnp.float32),
            jax.ShapeDtypeStruct((N_SC,), jnp.int32),
            jax.ShapeDtypeStruct((N_SC,), jnp.int32),
            jax.ShapeDtypeStruct((N_SC,), jnp.float32),
            jax.ShapeDtypeStruct((N_SC,), jnp.float32),
            jax.ShapeDtypeStruct((NUM_TILES, 2, LANES), jnp.float32),
        ],
        mesh=mesh,
        scratch_types=[
            pltpu.VMEM((N_EXPERTS, D_MODEL), jnp.float32),
            pltpu.VMEM((CHUNK, D_MODEL), jnp.float32),
            pltpu.VMEM((NT * N_EXPERTS,), jnp.float32),
            pltpu.VMEM((NT,), jnp.int32),
            pltpu.VMEM((NT,), jnp.int32),
            pltpu.VMEM((NT,), jnp.float32),
            pltpu.VMEM((NT,), jnp.float32),
            pltpu.VMEM((2, LANES), jnp.float32),
        ],
    )
    return f(x_flat, gate_w)



def kernel(x, gate_w):
    b, s, d = x.shape
    n_tokens = b * s
    n_tc = n_tokens - N_SC
    x_flat = x.reshape(n_tokens, d)
    wt = gate_w.T

    lt_tc, idx_tc, prb_tc, part_blocks = _tc_router(x_flat, wt, n_tc)
    lg_sc, i1_sc, i2_sc, p1_sc, p2_sc, part_sc = _sc_router(x_flat, gate_w)

    logits = jnp.concatenate([lt_tc.T, lg_sc.reshape(N_SC, N_EXPERTS)], axis=0)
    idx = jnp.concatenate([idx_tc.T, jnp.stack([i1_sc, i2_sc], axis=1)], axis=0)
    prb = jnp.concatenate([prb_tc.T, jnp.stack([p1_sc, p2_sc], axis=1)], axis=0)

    part_tc = part_blocks.sum(axis=0)
    sc = part_sc.reshape(NUM_TILES, 2, 2, N_EXPERTS).sum(axis=(0, 2))
    cnt = part_tc[:, 0] + sc[0]
    ps = part_tc[:, 1] + sc[1]
    frac = cnt / (n_tokens * TOP_K)
    avg = ps / n_tokens
    loss = jnp.sum(frac * avg) * (N_EXPERTS * BALANCE_LOSS_WEIGHT)

    capacity = max(int(b * s * TOP_K / N_EXPERTS * CAPACITY_FACTOR), 4)
    return (idx.astype(jnp.int64),
            prb,
            logits,
            loss,
            jnp.asarray(capacity, dtype=jnp.int32))

# --- scband reference (transcript-rebuilt; emitter-appended) ---
"""Pipeline reference for scband-top-krouter-81750407512546 (READ-ONLY COPY).

The authoritative reference and input builder live on the scoring server;
editing this copy changes nothing except your own understanding.
"""

import jax, jax.numpy as jnp
import numpy as np

D_MODEL = 768
N_EXPERTS = 8
TOP_K = 2
BALANCE_LOSS_WEIGHT = 0.01
CAPACITY_FACTOR = 1.25


def setup_inputs(seed: int = 0) -> dict:
    key = jax.random.key(seed)
    k1, k2 = jax.random.split(key)
    x = jax.random.normal(k1, (4, 8192, D_MODEL), dtype=jnp.float32)
    gate_w = jax.random.normal(k2, (N_EXPERTS, D_MODEL), dtype=jnp.float32) * 0.02
    return {"x": x, "gate_w": gate_w}


def reference(x, gate_w):
    b, s, d = x.shape
    x_flat = x.reshape(-1, d)
    # gate: linear, no bias
    gate_logits = x_flat @ gate_w.T
    # eval mode: no gate noise, no expert dropout
    top_k_values, top_k_indices = jax.lax.top_k(gate_logits, TOP_K)
    top_k_probs = jax.nn.softmax(top_k_values, axis=-1)
    # load balancing loss
    gate_probs = jax.nn.softmax(gate_logits, axis=-1)
    expert_mask = jax.nn.one_hot(top_k_indices, N_EXPERTS, dtype=jnp.float32)
    expert_assignment = expert_mask.sum(axis=1)
    tokens_per_expert = expert_assignment.sum(axis=0)
    total_tokens = gate_logits.shape[0] * TOP_K
    fraction_per_expert = tokens_per_expert / total_tokens
    avg_gate_prob = gate_probs.mean(axis=0)
    balance_loss = (fraction_per_expert * avg_gate_prob).sum() * N_EXPERTS
    capacity = max(int(b * s * TOP_K / N_EXPERTS * CAPACITY_FACTOR), 4)
    return (top_k_indices.astype(jnp.int64) if top_k_indices.dtype != jnp.int64 else top_k_indices,
            top_k_probs,
            gate_logits,
            balance_loss * BALANCE_LOSS_WEIGHT,
            jnp.asarray(capacity, dtype=jnp.int32))

if __name__ == "__main__":
    import jax
    _d = setup_inputs()
    print(jax.jit(kernel)(*tuple(_d.values())))

</pallas_src>

<mosaic_0001>
#map = affine_map<(d0, d1) -> (0, 0)>
#map1 = affine_map<(d0, d1) -> (0)>
#map2 = affine_map<(d0, d1) -> (0, 0, 0)>
module attributes {stable_mosaic.version = 14 : i64} {
  func.func @_sc_body(%arg0: i32, %arg1: i32, %arg2: memref<32768x768xf32, #tpu.memory_space<hbm>>, %arg3: memref<8x768xf32, #tpu.memory_space<hbm>>, %arg4: memref<16384xf32, #tpu.memory_space<hbm>>, %arg5: memref<2048xi32, #tpu.memory_space<hbm>>, %arg6: memref<2048xi32, #tpu.memory_space<hbm>>, %arg7: memref<2048xf32, #tpu.memory_space<hbm>>, %arg8: memref<2048xf32, #tpu.memory_space<hbm>>, %arg9: memref<32x2x16xf32, #tpu.memory_space<hbm>>, %arg10: memref<8x768xf32, #tpu.memory_space<vmem>>, %arg11: memref<16x768xf32, #tpu.memory_space<vmem>>, %arg12: memref<512xf32, #tpu.memory_space<vmem>>, %arg13: memref<64xi32, #tpu.memory_space<vmem>>, %arg14: memref<64xi32, #tpu.memory_space<vmem>>, %arg15: memref<64xf32, #tpu.memory_space<vmem>>, %arg16: memref<64xf32, #tpu.memory_space<vmem>>, %arg17: memref<2x16xf32, #tpu.memory_space<vmem>>) attributes {dimension_semantics = [#tpu.dimension_semantics<core_parallel>, #tpu.dimension_semantics<subcore_parallel>], iteration_bounds = array<i64: 2, 16>, scalar_prefetch = 0 : i64, scratch_operands = 8 : i64, tpu.core_type = #tpu.core_type<sc_vector_subcore>, window_params = [{transform_indices = #map}, {transform_indices = #map}, {transform_indices = #map1}, {transform_indices = #map1}, {transform_indices = #map1}, {transform_indices = #map1}, {transform_indices = #map1}, {transform_indices = #map2}]} {
    %mul3A = arith.constant 2 : i32
    %mul3A_0 = arith.muli %arg1, %mul3A : i32
    %add3A = arith.addi %mul3A_0, %arg0 : i32
    %mul3A_1 = arith.constant 64 : i32
    %mul3A_2 = arith.muli %add3A, %mul3A_1 : i32
    %add3A_3 = arith.constant 30720 : i32
    %add3A_4 = arith.addi %add3A_3, %mul3A_2 : i32
    "tpu.region"() ({
      %run_scoped3A = tpu.sem_alloc : memref<!tpu.dma_semaphore, #tpu.memory_space<semaphore_mem>>
      tpu.enqueue_dma source(%arg3 : memref<8x768xf32, #tpu.memory_space<hbm>>) target(%arg10 : memref<8x768xf32, #tpu.memory_space<vmem>>) target_semaphore(%run_scoped3A : memref<!tpu.dma_semaphore, #tpu.memory_space<semaphore_mem>>)
      tpu.wait_dma2 semaphore(%run_scoped3A : memref<!tpu.dma_semaphore, #tpu.memory_space<semaphore_mem>>) src(%arg3 : memref<8x768xf32, #tpu.memory_space<hbm>>) dst(%arg10 : memref<8x768xf32, #tpu.memory_space<vmem>>)
      tpu.yield
    }) : () -> ()
    %scan3A = arith.constant 0 : i32
    %scan3A_5 = arith.constant 0 : i32
    %scan3A_6 = arith.constant 48 : i32
    %scan3A_7 = arith.addi %scan3A_5, %scan3A_6 : i32
    %scan3A_8 = arith.constant 1 : i32
    %scan3A_9 = scf.for %scan3A_46 = %scan3A_5 to %scan3A_7 step %scan3A_8 iter_args(%scan3A_47 = %scan3A) -> (i32)  : i32 {
      %mul3A_48 = arith.constant 16 : i32
      %mul3A_49 = arith.muli %scan3A_46, %mul3A_48 : i32
      %get3A = arith.constant 0 : i32
      %get3A_50 = arith.index_cast %get3A : i32 to index
      %get3A_51 = arith.index_cast %mul3A_49 : i32 to index
      %get3A_52 = tpu.vector_load %arg10[%get3A_50, %get3A_51] {strides = array<i32>} : memref<8x768xf32, #tpu.memory_space<vmem>>, vector<1x16xf32>,
      %get3A_53 = vector.shape_cast %get3A_52 : vector<1x16xf32> to vector<16xf32>
      %bitcast_convert_type3A = tpu.bitcast %get3A_53 : vector<16xf32> -> vector<16xi32>
      %shift_right_logical3A = arith.constant 16 : i32
      %shift_right_logical3A_54 = vector.broadcast %shift_right_logical3A : i32 to vector<16xi32>
      %shift_right_logical3A_55 = arith.shrui %bitcast_convert_type3A, %shift_right_logical3A_54 : vector<16xi32>
      %and3A_56 = arith.constant 1 : i32
      %and3A_57 = vector.broadcast %and3A_56 : i32 to vector<16xi32>
      %and3A_58 = arith.andi %shift_right_logical3A_55, %and3A_57 : vector<16xi32>
      %add3A_59 = arith.constant 32767 : i32
      %add3A_60 = vector.broadcast %add3A_59 : i32 to vector<16xi32>
      %add3A_61 = arith.addi %bitcast_convert_type3A, %add3A_60 : vector<16xi32>
      %add3A_62 = arith.addi %add3A_61, %and3A_58 : vector<16xi32>
      %and3A_63 = arith.constant -65536 : i32
      %and3A_64 = vector.broadcast %and3A_63 : i32 to vector<16xi32>
      %and3A_65 = arith.andi %add3A_62, %and3A_64 : vector<16xi32>
      %bitcast_convert_type3A_66 = tpu.bitcast %and3A_65 : vector<16xi32> -> vector<16xf32>
      %swap3A_67 = arith.constant 0 : i32
      %swap3A_68 = arith.index_cast %swap3A_67 : i32 to index
      %swap3A_69 = arith.index_cast %mul3A_49 : i32 to index
      %swap3A_70 = tpu.vector_load %arg10[%swap3A_68, %swap3A_69] {strides = array<i32>} : memref<8x768xf32, #tpu.memory_space<vmem>>, vector<1x16xf32>,
      %swap3A_71 = vector.shape_cast %swap3A_70 : vector<1x16xf32> to vector<16xf32>
      %swap3A_72 = vector.shape_cast %bitcast_convert_type3A_66 : vector<16xf32> to vector<1x16xf32>
      tpu.vector_store %arg10[%swap3A_68, %swap3A_69], %swap3A_72 {strides = array<i32>} : memref<8x768xf32, #tpu.memory_space<vmem>>, vector<1x16xf32>,
      %get3A_73 = arith.constant 1 : i32
      %get3A_74 = arith.index_cast %get3A_73 : i32 to index
      %get3A_75 = arith.index_cast %mul3A_49 : i32 to index
      %get3A_76 = tpu.vector_load %arg10[%get3A_74, %get3A_75] {strides = array<i32>} : memref<8x768xf32, #tpu.memory_space<vmem>>, vector<1x16xf32>,
      %get3A_77 = vector.shape_cast %get3A_76 : vector<1x16xf32> to vector<16xf32>
      %bitcast_convert_type3A_78 = tpu.bitcast %get3A_77 : vector<16xf32> -> vector<16xi32>
      %shift_right_logical3A_79 = arith.constant 16 : i32
      %shift_right_logical3A_80 = vector.broadcast %shift_right_logical3A_79 : i32 to vector<16xi32>
      %shift_right_logical3A_81 = arith.shrui %bitcast_convert_type3A_78, %shift_right_logical3A_80 : vector<16xi32>
      %and3A_82 = arith.constant 1 : i32
      %and3A_83 = vector.broadcast %and3A_82 : i32 to vector<16xi32>
      %and3A_84 = arith.andi %shift_right_logical3A_81, %and3A_83 : vector<16xi32>
      %add3A_85 = arith.constant 32767 : i32
      %add3A_86 = vector.broadcast %add3A_85 : i32 to vector<16xi32>
      %add3A_87 = arith.addi %bitcast_convert_type3A_78, %add3A_86 : vector<16xi32>
      %add3A_88 = arith.addi %add3A_87, %and3A_84 : vector<16xi32>
      %and3A_89 = arith.constant -65536 : i32
      %and3A_90 = vector.broadcast %and3A_89 : i32 to vector<16xi32>
      %and3A_91 = arith.andi %add3A_88, %and3A_90 : vector<16xi32>
      %bitcast_convert_type3A_92 = tpu.bitcast %and3A_91 : vector<16xi32> -> vector<16xf32>
      %swap3A_93 = arith.constant 1 : i32
      %swap3A_94 = arith.index_cast %swap3A_93 : i32 to index
      %swap3A_95 = arith.index_cast %mul3A_49 : i32 to index
      %swap3A_96 = tpu.vector_load %arg10[%swap3A_94, %swap3A_95] {strides = array<i32>} : memref<8x768xf32, #tpu.memory_space<vmem>>, vector<1x16xf32>,
      %swap3A_97 = vector.shape_cast %swap3A_96 : vector<1x16xf32> to vector<16xf32>
      %swap3A_98 = vector.shape_cast %bitcast_convert_type3A_92 : vector<16xf32> to vector<1x16xf32>
      tpu.vector_store %arg10[%swap3A_94, %swap3A_95], %swap3A_98 {strides = array<i32>} : memref<8x768xf32, #tpu.memory_space<vmem>>, vector<1x16xf32>,
      %get3A_99 = arith.constant 2 : i32
      %get3A_100 = arith.index_cast %get3A_99 : i32 to index
      %get3A_101 = arith.index_cast %mul3A_49 : i32 to index
      %get3A_102 = tpu.vector_load %arg10[%get3A_100, %get3A_101] {strides = array<i32>} : memref<8x768xf32, #tpu.memory_space<vmem>>, vector<1x16xf32>,
      %get3A_103 = vector.shape_cast %get3A_102 : vector<1x16xf32> to vector<16xf32>
      %bitcast_convert_type3A_104 = tpu.bitcast %get3A_103 : vector<16xf32> -> vector<16xi32>
      %shift_right_logical3A_105 = arith.constant 16 : i32
      %shift_right_logical3A_106 = vector.broadcast %shift_right_logical3A_105 : i32 to vector<16xi32>
      %shift_right_logical3A_107 = arith.shrui %bitcast_convert_type3A_104, %shift_right_logical3A_106 : vector<16xi32>
      %and3A_108 = arith.constant 1 : i32
      %and3A_109 = vector.broadcast %and3A_108 : i32 to vector<16xi32>
      %and3A_110 = arith.andi %shift_right_logical3A_107, %and3A_109 : vector<16xi32>
      %add3A_111 = arith.constant 32767 : i32
      %add3A_112 = vector.broadcast %add3A_111 : i32 to vector<16xi32>
      %add3A_113 = arith.addi %bitcast_convert_type3A_104, %add3A_112 : vector<16xi32>
      %add3A_114 = arith.addi %add3A_113, %and3A_110 : vector<16xi32>
      %and3A_115 = arith.constant -65536 : i32
      %and3A_116 = vector.broadcast %and3A_115 : i32 to vector<16xi32>
      %and3A_117 = arith.andi %add3A_114, %and3A_116 : vector<16xi32>
      %bitcast_convert_type3A_118 = tpu.bitcast %and3A_117 : vector<16xi32> -> vector<16xf32>
      %swap3A_119 = arith.constant 2 : i32
      %swap3A_120 = arith.index_cast %swap3A_119 : i32 to index
      %swap3A_121 = arith.index_cast %mul3A_49 : i32 to index
      %swap3A_122 = tpu.vector_load %arg10[%swap3A_120, %swap3A_121] {strides = array<i32>} : memref<8x768xf32, #tpu.memory_space<vmem>>, vector<1x16xf32>,
      %swap3A_123 = vector.shape_cast %swap3A_122 : vector<1x16xf32> to vector<16xf32>
      %swap3A_124 = vector.shape_cast %bitcast_convert_type3A_118 : vector<16xf32> to vector<1x16xf32>
      tpu.vector_store %arg10[%swap3A_120, %swap3A_121], %swap3A_124 {strides = array<i32>} : memref<8x768xf32, #tpu.memory_space<vmem>>, vector<1x16xf32>,
      %get3A_125 = arith.constant 3 : i32
      %get3A_126 = arith.index_cast %get3A_125 : i32 to index
      %get3A_127 = arith.index_cast %mul3A_49 : i32 to index
      %get3A_128 = tpu.vector_load %arg10[%get3A_126, %get3A_127] {strides = array<i32>} : memref<8x768xf32, #tpu.memory_space<vmem>>, vector<1x16xf32>,
      %get3A_129 = vector.shape_cast %get3A_128 : vector<1x16xf32> to vector<16xf32>
      %bitcast_convert_type3A_130 = tpu.bitcast %get3A_129 : vector<16xf32> -> vector<16xi32>
      %shift_right_logical3A_131 = arith.constant 16 : i32
      %shift_right_logical3A_132 = vector.broadcast %shift_right_logical3A_131 : i32 to vector<16xi32>
      %shift_right_logical3A_133 = arith.shrui %bitcast_convert_type3A_130, %shift_right_logical3A_132 : vector<16xi32>
      %and3A_134 = arith.constant 1 : i32
      %and3A_135 = vector.broadcast %and3A_134 : i32 to vector<16xi32>
      %and3A_136 = arith.andi %shift_right_logical3A_133, %and3A_135 : vector<16xi32>
      %add3A_137 = arith.constant 32767 : i32
      %add3A_138 = vector.broadcast %add3A_137 : i32 to vector<16xi32>
      %add3A_139 = arith.addi %bitcast_convert_type3A_130, %add3A_138 : vector<16xi32>
      %add3A_140 = arith.addi %add3A_139, %and3A_136 : vector<16xi32>
      %and3A_141 = arith.constant -65536 : i32
      %and3A_142 = vector.broadcast %and3A_141 : i32 to vector<16xi32>
      %and3A_143 = arith.andi %add3A_140, %and3A_142 : vector<16xi32>
      %bitcast_convert_type3A_144 = tpu.bitcast %and3A_143 : vector<16xi32> -> vector<16xf32>
      %swap3A_145 = arith.constant 3 : i32
      %swap3A_146 = arith.index_cast %swap3A_145 : i32 to index
      %swap3A_147 = arith.index_cast %mul3A_49 : i32 to index
      %swap3A_148 = tpu.vector_load %arg10[%swap3A_146, %swap3A_147] {strides = array<i32>} : memref<8x768xf32, #tpu.memory_space<vmem>>, vector<1x16xf32>,
      %swap3A_149 = vector.shape_cast %swap3A_148 : vector<1x16xf32> to vector<16xf32>
      %swap3A_150 = vector.shape_cast %bitcast_convert_type3A_144 : vector<16xf32> to vector<1x16xf32>
      tpu.vector_store %arg10[%swap3A_146, %swap3A_147], %swap3A_150 {strides = array<i32>} : memref<8x768xf32, #tpu.memory_space<vmem>>, vector<1x16xf32>,
      %get3A_151 = arith.constant 4 : i32
      %get3A_152 = arith.index_cast %get3A_151 : i32 to index
      %get3A_153 = arith.index_cast %mul3A_49 : i32 to index
      %get3A_154 = tpu.vector_load %arg10[%get3A_152, %get3A_153] {strides = array<i32>} : memref<8x768xf32, #tpu.memory_space<vmem>>, vector<1x16xf32>,
      %get3A_155 = vector.shape_cast %get3A_154 : vector<1x16xf32> to vector<16xf32>
      %bitcast_convert_type3A_156 = tpu.bitcast %get3A_155 : vector<16xf32> -> vector<16xi32>
      %shift_right_logical3A_157 = arith.constant 16 : i32
      %shift_right_logical3A_158 = vector.broadcast %shift_right_logical3A_157 : i32 to vector<16xi32>
      %shift_right_logical3A_159 = arith.shrui %bitcast_convert_type3A_156, %shift_right_logical3A_158 : vector<16xi32>
      %and3A_160 = arith.constant 1 : i32
      %and3A_161 = vector.broadcast %and3A_160 : i32 to vector<16xi32>
      %and3A_162 = arith.andi %shift_right_logical3A_159, %and3A_161 : vector<16xi32>
      %add3A_163 = arith.constant 32767 : i32
      %add3A_164 = vector.broadcast %add3A_163 : i32 to vector<16xi32>
      %add3A_165 = arith.addi %bitcast_convert_type3A_156, %add3A_164 : vector<16xi32>
      %add3A_166 = arith.addi %add3A_165, %and3A_162 : vector<16xi32>
      %and3A_167 = arith.constant -65536 : i32
      %and3A_168 = vector.broadcast %and3A_167 : i32 to vector<16xi32>
      %and3A_169 = arith.andi %add3A_166, %and3A_168 : vector<16xi32>
      %bitcast_convert_type3A_170 = tpu.bitcast %and3A_169 : vector<16xi32> -> vector<16xf32>
      %swap3A_171 = arith.constant 4 : i32
      %swap3A_172 = arith.index_cast %swap3A_171 : i32 to index
      %swap3A_173 = arith.index_cast %mul3A_49 : i32 to index
      %swap3A_174 = tpu.vector_load %arg10[%swap3A_172, %swap3A_173] {strides = array<i32>} : memref<8x768xf32, #tpu.memory_space<vmem>>, vector<1x16xf32>,
      %swap3A_175 = vector.shape_cast %swap3A_174 : vector<1x16xf32> to vector<16xf32>
      %swap3A_176 = vector.shape_cast %bitcast_convert_type3A_170 : vector<16xf32> to vector<1x16xf32>
      tpu.vector_store %arg10[%swap3A_172, %swap3A_173], %swap3A_176 {strides = array<i32>} : memref<8x768xf32, #tpu.memory_space<vmem>>, vector<1x16xf32>,
      %get3A_177 = arith.constant 5 : i32
      %get3A_178 = arith.index_cast %get3A_177 : i32 to index
      %get3A_179 = arith.index_cast %mul3A_49 : i32 to index
      %get3A_180 = tpu.vector_load %arg10[%get3A_178, %get3A_179] {strides = array<i32>} : memref<8x768xf32, #tpu.memory_space<vmem>>, vector<1x16xf32>,
      %get3A_181 = vector.shape_cast %get3A_180 : vector<1x16xf32> to vector<16xf32>
      %bitcast_convert_type3A_182 = tpu.bitcast %get3A_181 : vector<16xf32> -> vector<16xi32>
      %shift_right_logical3A_183 = arith.constant 16 : i32
      %shift_right_logical3A_184 = vector.broadcast %shift_right_logical3A_183 : i32 to vector<16xi32>
      %shift_right_logical3A_185 = arith.shrui %bitcast_convert_type3A_182, %shift_right_logical3A_184 : vector<16xi32>
      %and3A_186 = arith.constant 1 : i32
      %and3A_187 = vector.broadcast %and3A_186 : i32 to vector<16xi32>
      %and3A_188 = arith.andi %shift_right_logical3A_185, %and3A_187 : vector<16xi32>
      %add3A_189 = arith.constant 32767 : i32
      %add3A_190 = vector.broadcast %add3A_189 : i32 to vector<16xi32>
      %add3A_191 = arith.addi %bitcast_convert_type3A_182, %add3A_190 : vector<16xi32>
      %add3A_192 = arith.addi %add3A_191, %and3A_188 : vector<16xi32>
      %and3A_193 = arith.constant -65536 : i32
      %and3A_194 = vector.broadcast %and3A_193 : i32 to vector<16xi32>
      %and3A_195 = arith.andi %add3A_192, %and3A_194 : vector<16xi32>
      %bitcast_convert_type3A_196 = tpu.bitcast %and3A_195 : vector<16xi32> -> vector<16xf32>
      %swap3A_197 = arith.constant 5 : i32
      %swap3A_198 = arith.index_cast %swap3A_197 : i32 to index
      %swap3A_199 = arith.index_cast %mul3A_49 : i32 to index
      %swap3A_200 = tpu.vector_load %arg10[%swap3A_198, %swap3A_199] {strides = array<i32>} : memref<8x768xf32, #tpu.memory_space<vmem>>, vector<1x16xf32>,
      %swap3A_201 = vector.shape_cast %swap3A_200 : vector<1x16xf32> to vector<16xf32>
      %swap3A_202 = vector.shape_cast %bitcast_convert_type3A_196 : vector<16xf32> to vector<1x16xf32>
      tpu.vector_store %arg10[%swap3A_198, %swap3A_199], %swap3A_202 {strides = array<i32>} : memref<8x768xf32, #tpu.memory_space<vmem>>, vector<1x16xf32>,
      %get3A_203 = arith.constant 6 : i32
      %get3A_204 = arith.index_cast %get3A_203 : i32 to index
      %get3A_205 = arith.index_cast %mul3A_49 : i32 to index
      %get3A_206 = tpu.vector_load %arg10[%get3A_204, %get3A_205] {strides = array<i32>} : memref<8x768xf32, #tpu.memory_space<vmem>>, vector<1x16xf32>,
      %get3A_207 = vector.shape_cast %get3A_206 : vector<1x16xf32> to vector<16xf32>
      %bitcast_convert_type3A_208 = tpu.bitcast %get3A_207 : vector<16xf32> -> vector<16xi32>
      %shift_right_logical3A_209 = arith.constant 16 : i32
      %shift_right_logical3A_210 = vector.broadcast %shift_right_logical3A_209 : i32 to vector<16xi32>
      %shift_right_logical3A_211 = arith.shrui %bitcast_convert_type3A_208, %shift_right_logical3A_210 : vector<16xi32>
      %and3A_212 = arith.constant 1 : i32
      %and3A_213 = vector.broadcast %and3A_212 : i32 to vector<16xi32>
      %and3A_214 = arith.andi %shift_right_logical3A_211, %and3A_213 : vector<16xi32>
      %add3A_215 = arith.constant 32767 : i32
      %add3A_216 = vector.broadcast %add3A_215 : i32 to vector<16xi32>
      %add3A_217 = arith.addi %bitcast_convert_type3A_208, %add3A_216 : vector<16xi32>
      %add3A_218 = arith.addi %add3A_217, %and3A_214 : vector<16xi32>
      %and3A_219 = arith.constant -65536 : i32
      %and3A_220 = vector.broadcast %and3A_219 : i32 to vector<16xi32>
      %and3A_221 = arith.andi %add3A_218, %and3A_220 : vector<16xi32>
      %bitcast_convert_type3A_222 = tpu.bitcast %and3A_221 : vector<16xi32> -> vector<16xf32>
      %swap3A_223 = arith.constant 6 : i32
      %swap3A_224 = arith.index_cast %swap3A_223 : i32 to index
      %swap3A_225 = arith.index_cast %mul3A_49 : i32 to index
      %swap3A_226 = tpu.vector_load %arg10[%swap3A_224, %swap3A_225] {strides = array<i32>} : memref<8x768xf32, #tpu.memory_space<vmem>>, vector<1x16xf32>,
      %swap3A_227 = vector.shape_cast %swap3A_226 : vector<1x16xf32> to vector<16xf32>
      %swap3A_228 = vector.shape_cast %bitcast_convert_type3A_222 : vector<16xf32> to vector<1x16xf32>
      tpu.vector_store %arg10[%swap3A_224, %swap3A_225], %swap3A_228 {strides = array<i32>} : memref<8x768xf32, #tpu.memory_space<vmem>>, vector<1x16xf32>,
      %get3A_229 = arith.constant 7 : i32
      %get3A_230 = arith.index_cast %get3A_229 : i32 to index
      %get3A_231 = arith.index_cast %mul3A_49 : i32 to index
      %get3A_232 = tpu.vector_load %arg10[%get3A_230, %get3A_231] {strides = array<i32>} : memref<8x768xf32, #tpu.memory_space<vmem>>, vector<1x16xf32>,
      %get3A_233 = vector.shape_cast %get3A_232 : vector<1x16xf32> to vector<16xf32>
      %bitcast_convert_type3A_234 = tpu.bitcast %get3A_233 : vector<16xf32> -> vector<16xi32>
      %shift_right_logical3A_235 = arith.constant 16 : i32
      %shift_right_logical3A_236 = vector.broadcast %shift_right_logical3A_235 : i32 to vector<16xi32>
      %shift_right_logical3A_237 = arith.shrui %bitcast_convert_type3A_234, %shift_right_logical3A_236 : vector<16xi32>
      %and3A_238 = arith.constant 1 : i32
      %and3A_239 = vector.broadcast %and3A_238 : i32 to vector<16xi32>
      %and3A_240 = arith.andi %shift_right_logical3A_237, %and3A_239 : vector<16xi32>
      %add3A_241 = arith.constant 32767 : i32
      %add3A_242 = vector.broadcast %add3A_241 : i32 to vector<16xi32>
      %add3A_243 = arith.addi %bitcast_convert_type3A_234, %add3A_242 : vector<16xi32>
      %add3A_244 = arith.addi %add3A_243, %and3A_240 : vector<16xi32>
      %and3A_245 = arith.constant -65536 : i32
      %and3A_246 = vector.broadcast %and3A_245 : i32 to vector<16xi32>
      %and3A_247 = arith.andi %add3A_244, %and3A_246 : vector<16xi32>
      %bitcast_convert_type3A_248 = tpu.bitcast %and3A_247 : vector<16xi32> -> vector<16xf32>
      %swap3A_249 = arith.constant 7 : i32
      %swap3A_250 = arith.index_cast %swap3A_249 : i32 to index
      %swap3A_251 = arith.index_cast %mul3A_49 : i32 to index
      %swap3A_252 = tpu.vector_load %arg10[%swap3A_250, %swap3A_251] {strides = array<i32>} : memref<8x768xf32, #tpu.memory_space<vmem>>, vector<1x16xf32>,
      %swap3A_253 = vector.shape_cast %swap3A_252 : vector<1x16xf32> to vector<16xf32>
      %swap3A_254 = vector.shape_cast %bitcast_convert_type3A_248 : vector<16xf32> to vector<1x16xf32>
      tpu.vector_store %arg10[%swap3A_250, %swap3A_251], %swap3A_254 {strides = array<i32>} : memref<8x768xf32, #tpu.memory_space<vmem>>, vector<1x16xf32>,
      %scan3A_255 = arith.constant 0 : i32
      scf.yield %scan3A_255 : i32
    }
    %scan3A_10 = arith.constant 48 : i32
    %iota3A = tpu.iota {dimensions = array<i32: 0>} : vector<16xi32>
    %and3A = arith.constant 7 : i32
    %and3A_11 = vector.broadcast %and3A : i32 to vector<16xi32>
    %and3A_12 = arith.andi %iota3A, %and3A_11 : vector<16xi32>
    %and3A_13 = arith.constant 1 : i32
    %and3A_14 = vector.broadcast %and3A_13 : i32 to vector<16xi32>
    %and3A_15 = arith.andi %iota3A, %and3A_14 : vector<16xi32>
    %mul3A_16 = arith.constant 8 : i32
    %mul3A_17 = vector.broadcast %mul3A_16 : i32 to vector<16xi32>
    %mul3A_18 = arith.muli %and3A_15, %mul3A_17 : vector<16xi32>
    %broadcast_in_dim3A = arith.constant 0.000000e+00 : f32
    %broadcast_in_dim3A_19 = vector.broadcast %broadcast_in_dim3A : f32 to vector<16xf32>
    %broadcast_in_dim3A_20 = arith.constant 0xFF800000 : f32
    %broadcast_in_dim3A_21 = vector.broadcast %broadcast_in_dim3A_20 : f32 to vector<16xf32>
    %swap3A = arith.constant 0 : i32
    %swap3A_22 = arith.index_cast %swap3A : i32 to index
    %swap3A_23 = arith.constant 0 : index
    %swap3A_24 = tpu.vector_load %arg17[%swap3A_22, %swap3A_23] {strides = array<i32>} : memref<2x16xf32, #tpu.memory_space<vmem>>, vector<1x16xf32>,
    %swap3A_25 = vector.shape_cast %swap3A_24 : vector<1x16xf32> to vector<16xf32>
    %swap3A_26 = vector.shape_cast %broadcast_in_dim3A_19 : vector<16xf32> to vector<1x16xf32>
    tpu.vector_store %arg17[%swap3A_22, %swap3A_23], %swap3A_26 {strides = array<i32>} : memref<2x16xf32, #tpu.memory_space<vmem>>, vector<1x16xf32>,
    %swap3A_27 = arith.constant 1 : i32
    %swap3A_28 = arith.index_cast %swap3A_27 : i32 to index
    %swap3A_29 = arith.constant 0 : index
    %swap3A_30 = tpu.vector_load %arg17[%swap3A_28, %swap3A_29] {strides = array<i32>} : memref<2x16xf32, #tpu.memory_space<vmem>>, vector<1x16xf32>,
    %swap3A_31 = vector.shape_cast %swap3A_30 : vector<1x16xf32> to vector<16xf32>
    %swap3A_32 = vector.shape_cast %broadcast_in_dim3A_19 : vector<16xf32> to vector<1x16xf32>
    tpu.vector_store %arg17[%swap3A_28, %swap3A_29], %swap3A_32 {strides = array<i32>} : memref<2x16xf32, #tpu.memory_space<vmem>>, vector<1x16xf32>,
    %scan3A_33 = arith.constant 0 : i32
    %scan3A_34 = arith.constant 0 : i32
    %scan3A_35 = arith.constant 4 : i32
    %scan3A_36 = arith.addi %scan3A_34, %scan3A_35 : i32
    %scan3A_37 = arith.constant 1 : i32
    %scan3A_38 = scf.for %scan3A_46 = %scan3A_34 to %scan3A_36 step %scan3A_37 iter_args(%scan3A_47 = %scan3A_33) -> (i32)  : i32 {
      %mul3A_48 = arith.constant 16 : i32
      %mul3A_49 = arith.muli %scan3A_46, %mul3A_48 : i32
      %add3A_50 = arith.addi %add3A_4, %mul3A_49 : i32
      "tpu.region"() ({
        %run_scoped3A = tpu.sem_alloc : memref<!tpu.dma_semaphore, #tpu.memory_space<semaphore_mem>>
        %dma_start3A = arith.constant 0 : i32
        %dma_start3A_76 = tpu.memref_slice %arg2[%add3A_50, %dma_start3A] : memref<32768x768xf32, #tpu.memory_space<hbm>> -> memref<16x768xf32, #tpu.memory_space<hbm>>
        %dma_start3A_77 = arith.constant 0 : i32
        %dma_start3A_78 = tpu.memref_slice %arg2[%add3A_50, %dma_start3A_77] : memref<32768x768xf32, #tpu.memory_space<hbm>> -> memref<16x768xf32, #tpu.memory_space<hbm>>
        tpu.enqueue_dma source(%dma_start3A_78 : memref<16x768xf32, #tpu.memory_space<hbm>>) target(%arg11 : memref<16x768xf32, #tpu.memory_space<vmem>>) target_semaphore(%run_scoped3A : memref<!tpu.dma_semaphore, #tpu.memory_space<semaphore_mem>>)
        %dma_wait3A = arith.constant 0 : i32
        %dma_wait3A_79 = tpu.memref_slice %arg2[%add3A_50, %dma_wait3A] : memref<32768x768xf32, #tpu.memory_space<hbm>> -> memref<16x768xf32, #tpu.memory_space<hbm>>
        %dma_wait3A_80 = arith.constant 0 : i32
        %dma_wait3A_81 = tpu.memref_slice %arg2[%add3A_50, %dma_wait3A_80] : memref<32768x768xf32, #tpu.memory_space<hbm>> -> memref<16x768xf32, #tpu.memory_space<hbm>>
        tpu.wait_dma2 semaphore(%run_scoped3A : memref<!tpu.dma_semaphore, #tpu.memory_space<semaphore_mem>>) src(%dma_wait3A_81 : memref<16x768xf32, #tpu.memory_space<hbm>>) dst(%arg11 : memref<16x768xf32, #tpu.memory_space<vmem>>)
        tpu.yield
      }) : () -> ()
      %broadcast_in_dim3A_51 = arith.constant 0 : i32
      %broadcast_in_dim3A_52 = vector.broadcast %broadcast_in_dim3A_51 : i32 to vector<16xi32>
      %scan3A_53 = arith.constant 0 : i32
      %scan3A_54 = arith.constant 8 : i32
      %scan3A_55 = arith.addi %scan3A_53, %scan3A_54 : i32
      %scan3A_56 = arith.constant 1 : i32
      %scan3A_57:4 = scf.for %scan3A_76 = %scan3A_53 to %scan3A_55 step %scan3A_56 iter_args(%scan3A_77 = %broadcast_in_dim3A_52, %scan3A_78 = %broadcast_in_dim3A_52, %scan3A_79 = %broadcast_in_dim3A_19, %scan3A_80 = %broadcast_in_dim3A_19) -> (vector<16xi32>, vector<16xi32>, vector<16xf32>, vector<16xf32>)  : i32 {
        %mul3A_81 = arith.constant 2 : i32
        %mul3A_82 = arith.muli %mul3A_81, %scan3A_76 : i32
        %scan3A_83 = arith.constant 0 : i32
        %scan3A_84 = arith.constant 12 : i32
        %scan3A_85 = arith.addi %scan3A_83, %scan3A_84 : i32
        %scan3A_86 = arith.constant 1 : i32
        %scan3A_87:16 = scf.for %scan3A_445 = %scan3A_83 to %scan3A_85 step %scan3A_86 iter_args(%scan3A_446 = %broadcast_in_dim3A_19, %scan3A_447 = %broadcast_in_dim3A_19, %scan3A_448 = %broadcast_in_dim3A_19, %scan3A_449 = %broadcast_in_dim3A_19, %scan3A_450 = %broadcast_in_dim3A_19, %scan3A_451 = %broadcast_in_dim3A_19, %scan3A_452 = %broadcast_in_dim3A_19, %scan3A_453 = %broadcast_in_dim3A_19, %scan3A_454 = %broadcast_in_dim3A_19, %scan3A_455 = %broadcast_in_dim3A_19, %scan3A_456 = %broadcast_in_dim3A_19, %scan3A_457 = %broadcast_in_dim3A_19, %scan3A_458 = %broadcast_in_dim3A_19, %scan3A_459 = %broadcast_in_dim3A_19, %scan3A_460 = %broadcast_in_dim3A_19, %scan3A_461 = %broadcast_in_dim3A_19) -> (vector<16xf32>, vector<16xf32>, vector<16xf32>, vector<16xf32>, vector<16xf32>, vector<16xf32>, vector<16xf32>, vector<16xf32>, vector<16xf32>, vector<16xf32>, vector<16xf32>, vector<16xf32>, vector<16xf32>, vector<16xf32>, vector<16xf32>, vector<16xf32>)  : i32 {
          %mul3A_462 = arith.constant 64 : i32
          %mul3A_463 = arith.muli %scan3A_445, %mul3A_462 : i32
          %add3A_464 = arith.constant 0 : i32
          %add3A_465 = arith.addi %mul3A_463, %add3A_464 : i32
          %get3A_466 = arith.index_cast %mul3A_82 : i32 to index
          %get3A_467 = arith.index_cast %add3A_465 : i32 to index
          %get3A_468 = tpu.vector_load %arg11[%get3A_466, %get3A_467] {strides = array<i32>} : memref<16x768xf32, #tpu.memory_space<vmem>>, vector<1x16xf32>,
          %get3A_469 = vector.shape_cast %get3A_468 : vector<1x16xf32> to vector<16xf32>
          %bitcast_convert_type3A = tpu.bitcast %get3A_469 : vector<16xf32> -> vector<16xi32>
          %shift_right_logical3A = arith.constant 16 : i32
          %shift_right_logical3A_470 = vector.broadcast %shift_right_logical3A : i32 to vector<16xi32>
          %shift_right_logical3A_471 = arith.shrui %bitcast_convert_type3A, %shift_right_logical3A_470 : vector<16xi32>
          %and3A_472 = arith.constant 1 : i32
          %and3A_473 = vector.broadcast %and3A_472 : i32 to vector<16xi32>
          %and3A_474 = arith.andi %shift_right_logical3A_471, %and3A_473 : vector<16xi32>
          %add3A_475 = arith.constant 32767 : i32
          %add3A_476 = vector.broadcast %add3A_475 : i32 to vector<16xi32>
          %add3A_477 = arith.addi %bitcast_convert_type3A, %add3A_476 : vector<16xi32>
          %add3A_478 = arith.addi %add3A_477, %and3A_474 : vector<16xi32>
          %and3A_479 = arith.constant -65536 : i32
          %and3A_480 = vector.broadcast %and3A_479 : i32 to vector<16xi32>
          %and3A_481 = arith.andi %add3A_478, %and3A_480 : vector<16xi32>
          %bitcast_convert_type3A_482 = tpu.bitcast %and3A_481 : vector<16xi32> -> vector<16xf32>
          %add3A_483 = arith.constant 1 : i32
          %add3A_484 = arith.addi %mul3A_82, %add3A_483 : i32
          %get3A_485 = arith.index_cast %add3A_484 : i32 to index
          %get3A_486 = arith.index_cast %add3A_465 : i32 to index
          %get3A_487 = tpu.vector_load %arg11[%get3A_485, %get3A_486] {strides = array<i32>} : memref<16x768xf32, #tpu.memory_space<vmem>>, vector<1x16xf32>,
          %get3A_488 = vector.shape_cast %get3A_487 : vector<1x16xf32> to vector<16xf32>
          %bitcast_convert_type3A_489 = tpu.bitcast %get3A_488 : vector<16xf32> -> vector<16xi32>
          %shift_right_logical3A_490 = arith.constant 16 : i32
          %shift_right_logical3A_491 = vector.broadcast %shift_right_logical3A_490 : i32 to vector<16xi32>
          %shift_right_logical3A_492 = arith.shrui %bitcast_convert_type3A_489, %shift_right_logical3A_491 : vector<16xi32>
          %and3A_493 = arith.constant 1 : i32
          %and3A_494 = vector.broadcast %and3A_493 : i32 to vector<16xi32>
          %and3A_495 = arith.andi %shift_right_logical3A_492, %and3A_494 : vector<16xi32>
          %add3A_496 = arith.constant 32767 : i32
          %add3A_497 = vector.broadcast %add3A_496 : i32 to vector<16xi32>
          %add3A_498 = arith.addi %bitcast_convert_type3A_489, %add3A_497 : vector<16xi32>
          %add3A_499 = arith.addi %add3A_498, %and3A_495 : vector<16xi32>
          %and3A_500 = arith.constant -65536 : i32
          %and3A_501 = vector.broadcast %and3A_500 : i32 to vector<16xi32>
          %and3A_502 = arith.andi %add3A_499, %and3A_501 : vector<16xi32>
          %bitcast_convert_type3A_503 = tpu.bitcast %and3A_502 : vector<16xi32> -> vector<16xf32>
          %get3A_504 = arith.constant 0 : i32
          %get3A_505 = arith.index_cast %get3A_504 : i32 to index
          %get3A_506 = arith.index_cast %add3A_465 : i32 to index
          %get3A_507 = tpu.vector_load %arg10[%get3A_505, %get3A_506] {strides = array<i32>} : memref<8x768xf32, #tpu.memory_space<vmem>>, vector<1x16xf32>,
          %get3A_508 = vector.shape_cast %get3A_507 : vector<1x16xf32> to vector<16xf32>
          %mul3A_509 = arith.mulf %bitcast_convert_type3A_482, %get3A_508 : vector<16xf32>
          %add3A_510 = arith.addf %scan3A_446, %mul3A_509 : vector<16xf32>
          %mul3A_511 = arith.mulf %bitcast_convert_type3A_503, %get3A_508 : vector<16xf32>
          %add3A_512 = arith.addf %scan3A_454, %mul3A_511 : vector<16xf32>
          %get3A_513 = arith.constant 1 : i32
          %get3A_514 = arith.index_cast %get3A_513 : i32 to index
          %get3A_515 = arith.index_cast %add3A_465 : i32 to index
          %get3A_516 = tpu.vector_load %arg10[%get3A_514, %get3A_515] {strides = array<i32>} : memref<8x768xf32, #tpu.memory_space<vmem>>, vector<1x16xf32>,
          %get3A_517 = vector.shape_cast %get3A_516 : vector<1x16xf32> to vector<16xf32>
          %mul3A_518 = arith.mulf %bitcast_convert_type3A_482, %get3A_517 : vector<16xf32>
          %add3A_519 = arith.addf %scan3A_447, %mul3A_518 : vector<16xf32>
          %mul3A_520 = arith.mulf %bitcast_convert_type3A_503, %get3A_517 : vector<16xf32>
          %add3A_521 = arith.addf %scan3A_455, %mul3A_520 : vector<16xf32>
          %get3A_522 = arith.constant 2 : i32
          %get3A_523 = arith.index_cast %get3A_522 : i32 to index
          %get3A_524 = arith.index_cast %add3A_465 : i32 to index
          %get3A_525 = tpu.vector_load %arg10[%get3A_523, %get3A_524] {strides = array<i32>} : memref<8x768xf32, #tpu.memory_space<vmem>>, vector<1x16xf32>,
          %get3A_526 = vector.shape_cast %get3A_525 : vector<1x16xf32> to vector<16xf32>
          %mul3A_527 = arith.mulf %bitcast_convert_type3A_482, %get3A_526 : vector<16xf32>
          %add3A_528 = arith.addf %scan3A_448, %mul3A_527 : vector<16xf32>
          %mul3A_529 = arith.mulf %bitcast_convert_type3A_503, %get3A_526 : vector<16xf32>
          %add3A_530 = arith.addf %scan3A_456, %mul3A_529 : vector<16xf32>
          %get3A_531 = arith.constant 3 : i32
          %get3A_532 = arith.index_cast %get3A_531 : i32 to index
          %get3A_533 = arith.index_cast %add3A_465 : i32 to index
          %get3A_534 = tpu.vector_load %arg10[%get3A_532, %get3A_533] {strides = array<i32>} : memref<8x768xf32, #tpu.memory_space<vmem>>, vector<1x16xf32>,
          %get3A_535 = vector.shape_cast %get3A_534 : vector<1x16xf32> to vector<16xf32>
          %mul3A_536 = arith.mulf %bitcast_convert_type3A_482, %get3A_535 : vector<16xf32>
          %add3A_537 = arith.addf %scan3A_449, %mul3A_536 : vector<16xf32>
          %mul3A_538 = arith.mulf %bitcast_convert_type3A_503, %get3A_535 : vector<16xf32>
          %add3A_539 = arith.addf %scan3A_457, %mul3A_538 : vector<16xf32>
          %get3A_540 = arith.constant 4 : i32
          %get3A_541 = arith.index_cast %get3A_540 : i32 to index
          %get3A_542 = arith.index_cast %add3A_465 : i32 to index
          %get3A_543 = tpu.vector_load %arg10[%get3A_541, %get3A_542] {strides = array<i32>} : memref<8x768xf32, #tpu.memory_space<vmem>>, vector<1x16xf32>,
          %get3A_544 = vector.shape_cast %get3A_543 : vector<1x16xf32> to vector<16xf32>
          %mul3A_545 = arith.mulf %bitcast_convert_type3A_482, %get3A_544 : vector<16xf32>
          %add3A_546 = arith.addf %scan3A_450, %mul3A_545 : vector<16xf32>
          %mul3A_547 = arith.mulf %bitcast_convert_type3A_503, %get3A_544 : vector<16xf32>
          %add3A_548 = arith.addf %scan3A_458, %mul3A_547 : vector<16xf32>
          %get3A_549 = arith.constant 5 : i32
          %get3A_550 = arith.index_cast %get3A_549 : i32 to index
          %get3A_551 = arith.index_cast %add3A_465 : i32 to index
          %get3A_552 = tpu.vector_load %arg10[%get3A_550, %get3A_551] {strides = array<i32>} : memref<8x768xf32, #tpu.memory_space<vmem>>, vector<1x16xf32>,
          %get3A_553 = vector.shape_cast %get3A_552 : vector<1x16xf32> to vector<16xf32>
          %mul3A_554 = arith.mulf %bitcast_convert_type3A_482, %get3A_553 : vector<16xf32>
          %add3A_555 = arith.addf %scan3A_451, %mul3A_554 : vector<16xf32>
          %mul3A_556 = arith.mulf %bitcast_convert_type3A_503, %get3A_553 : vector<16xf32>
          %add3A_557 = arith.addf %scan3A_459, %mul3A_556 : vector<16xf32>
          %get3A_558 = arith.constant 6 : i32
          %get3A_559 = arith.index_cast %get3A_558 : i32 to index
          %get3A_560 = arith.index_cast %add3A_465 : i32 to index
          %get3A_561 = tpu.vector_load %arg10[%get3A_559, %get3A_560] {strides = array<i32>} : memref<8x768xf32, #tpu.memory_space<vmem>>, vector<1x16xf32>,
          %get3A_562 = vector.shape_cast %get3A_561 : vector<1x16xf32> to vector<16xf32>
          %mul3A_563 = arith.mulf %bitcast_convert_type3A_482, %get3A_562 : vector<16xf32>
          %add3A_564 = arith.addf %scan3A_452, %mul3A_563 : vector<16xf32>
          %mul3A_565 = arith.mulf %bitcast_convert_type3A_503, %get3A_562 : vector<16xf32>
          %add3A_566 = arith.addf %scan3A_460, %mul3A_565 : vector<16xf32>
          %get3A_567 = arith.constant 7 : i32
          %get3A_568 = arith.index_cast %get3A_567 : i32 to index
          %get3A_569 = arith.index_cast %add3A_465 : i32 to index
          %get3A_570 = tpu.vector_load %arg10[%get3A_568, %get3A_569] {strides = array<i32>} : memref<8x768xf32, #tpu.memory_space<vmem>>, vector<1x16xf32>,
          %get3A_571 = vector.shape_cast %get3A_570 : vector<1x16xf32> to vector<16xf32>
          %mul3A_572 = arith.mulf %bitcast_convert_type3A_482, %get3A_571 : vector<16xf32>
          %add3A_573 = arith.addf %scan3A_453, %mul3A_572 : vector<16xf32>
          %mul3A_574 = arith.mulf %bitcast_convert_type3A_503, %get3A_571 : vector<16xf32>
          %add3A_575 = arith.addf %scan3A_461, %mul3A_574 : vector<16xf32>
          %mul3A_576 = arith.constant 64 : i32
          %mul3A_577 = arith.muli %scan3A_445, %mul3A_576 : i32
          %add3A_578 = arith.constant 16 : i32
          %add3A_579 = arith.addi %mul3A_577, %add3A_578 : i32
          %get3A_580 = arith.index_cast %mul3A_82 : i32 to index
          %get3A_581 = arith.index_cast %add3A_579 : i32 to index
          %get3A_582 = tpu.vector_load %arg11[%get3A_580, %get3A_581] {strides = array<i32>} : memref<16x768xf32, #tpu.memory_space<vmem>>, vector<1x16xf32>,
          %get3A_583 = vector.shape_cast %get3A_582 : vector<1x16xf32> to vector<16xf32>
          %bitcast_convert_type3A_584 = tpu.bitcast %get3A_583 : vector<16xf32> -> vector<16xi32>
          %shift_right_logical3A_585 = arith.constant 16 : i32
          %shift_right_logical3A_586 = vector.broadcast %shift_right_logical3A_585 : i32 to vector<16xi32>
          %shift_right_logical3A_587 = arith.shrui %bitcast_convert_type3A_584, %shift_right_logical3A_586 : vector<16xi32>
          %and3A_588 = arith.constant 1 : i32
          %and3A_589 = vector.broadcast %and3A_588 : i32 to vector<16xi32>
          %and3A_590 = arith.andi %shift_right_logical3A_587, %and3A_589 : vector<16xi32>
          %add3A_591 = arith.constant 32767 : i32
          %add3A_592 = vector.broadcast %add3A_591 : i32 to vector<16xi32>
          %add3A_593 = arith.addi %bitcast_convert_type3A_584, %add3A_592 : vector<16xi32>
          %add3A_594 = arith.addi %add3A_593, %and3A_590 : vector<16xi32>
          %and3A_595 = arith.constant -65536 : i32
          %and3A_596 = vector.broadcast %and3A_595 : i32 to vector<16xi32>
          %and3A_597 = arith.andi %add3A_594, %and3A_596 : vector<16xi32>
          %bitcast_convert_type3A_598 = tpu.bitcast %and3A_597 : vector<16xi32> -> vector<16xf32>
          %add3A_599 = arith.constant 1 : i32
          %add3A_600 = arith.addi %mul3A_82, %add3A_599 : i32
          %get3A_601 = arith.index_cast %add3A_600 : i32 to index
          %get3A_602 = arith.index_cast %add3A_579 : i32 to index
          %get3A_603 = tpu.vector_load %arg11[%get3A_601, %get3A_602] {strides = array<i32>} : memref<16x768xf32, #tpu.memory_space<vmem>>, vector<1x16xf32>,
          %get3A_604 = vector.shape_cast %get3A_603 : vector<1x16xf32> to vector<16xf32>
          %bitcast_convert_type3A_605 = tpu.bitcast %get3A_604 : vector<16xf32> -> vector<16xi32>
          %shift_right_logical3A_606 = arith.constant 16 : i32
          %shift_right_logical3A_607 = vector.broadcast %shift_right_logical3A_606 : i32 to vector<16xi32>
          %shift_right_logical3A_608 = arith.shrui %bitcast_convert_type3A_605, %shift_right_logical3A_607 : vector<16xi32>
          %and3A_609 = arith.constant 1 : i32
          %and3A_610 = vector.broadcast %and3A_609 : i32 to vector<16xi32>
          %and3A_611 = arith.andi %shift_right_logical3A_608, %and3A_610 : vector<16xi32>
          %add3A_612 = arith.constant 32767 : i32
          %add3A_613 = vector.broadcast %add3A_612 : i32 to vector<16xi32>
          %add3A_614 = arith.addi %bitcast_convert_type3A_605, %add3A_613 : vector<16xi32>
          %add3A_615 = arith.addi %add3A_614, %and3A_611 : vector<16xi32>
          %and3A_616 = arith.constant -65536 : i32
          %and3A_617 = vector.broadcast %and3A_616 : i32 to vector<16xi32>
          %and3A_618 = arith.andi %add3A_615, %and3A_617 : vector<16xi32>
          %bitcast_convert_type3A_619 = tpu.bitcast %and3A_618 : vector<16xi32> -> vector<16xf32>
          %get3A_620 = arith.constant 0 : i32
          %get3A_621 = arith.index_cast %get3A_620 : i32 to index
          %get3A_622 = arith.index_cast %add3A_579 : i32 to index
          %get3A_623 = tpu.vector_load %arg10[%get3A_621, %get3A_622] {strides = array<i32>} : memref<8x768xf32, #tpu.memory_space<vmem>>, vector<1x16xf32>,
          %get3A_624 = vector.shape_cast %get3A_623 : vector<1x16xf32> to vector<16xf32>
          %mul3A_625 = arith.mulf %bitcast_convert_type3A_598, %get3A_624 : vector<16xf32>
          %add3A_626 = arith.addf %add3A_510, %mul3A_625 : vector<16xf32>
          %mul3A_627 = arith.mulf %bitcast_convert_type3A_619, %get3A_624 : vector<16xf32>
          %add3A_628 = arith.addf %add3A_512, %mul3A_627 : vector<16xf32>
          %get3A_629 = arith.constant 1 : i32
          %get3A_630 = arith.index_cast %get3A_629 : i32 to index
          %get3A_631 = arith.index_cast %add3A_579 : i32 to index
          %get3A_632 = tpu.vector_load %arg10[%get3A_630, %get3A_631] {strides = array<i32>} : memref<8x768xf32, #tpu.memory_space<vmem>>, vector<1x16xf32>,
          %get3A_633 = vector.shape_cast %get3A_632 : vector<1x16xf32> to vector<16xf32>
          %mul3A_634 = arith.mulf %bitcast_convert_type3A_598, %get3A_633 : vector<16xf32>
          %add3A_635 = arith.addf %add3A_519, %mul3A_634 : vector<16xf32>
          %mul3A_636 = arith.mulf %bitcast_convert_type3A_619, %get3A_633 : vector<16xf32>
          %add3A_637 = arith.addf %add3A_521, %mul3A_636 : vector<16xf32>
          %get3A_638 = arith.constant 2 : i32
          %get3A_639 = arith.index_cast %get3A_638 : i32 to index
          %get3A_640 = arith.index_cast %add3A_579 : i32 to index
          %get3A_641 = tpu.vector_load %arg10[%get3A_639, %get3A_640] {strides = array<i32>} : memref<8x768xf32, #tpu.memory_space<vmem>>, vector<1x16xf32>,
          %get3A_642 = vector.shape_cast %get3A_641 : vector<1x16xf32> to vector<16xf32>
          %mul3A_643 = arith.mulf %bitcast_convert_type3A_598, %get3A_642 : vector<16xf32>
          %add3A_644 = arith.addf %add3A_528, %mul3A_643 : vector<16xf32>
          %mul3A_645 = arith.mulf %bitcast_convert_type3A_619, %get3A_642 : vector<16xf32>
          %add3A_646 = arith.addf %add3A_530, %mul3A_645 : vector<16xf32>
          %get3A_647 = arith.constant 3 : i32
          %get3A_648 = arith.index_cast %get3A_647 : i32 to index
          %get3A_649 = arith.index_cast %add3A_579 : i32 to index
          %get3A_650 = tpu.vector_load %arg10[%get3A_648, %get3A_649] {strides = array<i32>} : memref<8x768xf32, #tpu.memory_space<vmem>>, vector<1x16xf32>,
          %get3A_651 = vector.shape_cast %get3A_650 : vector<1x16xf32> to vector<16xf32>
          %mul3A_652 = arith.mulf %bitcast_convert_type3A_598, %get3A_651 : vector<16xf32>
          %add3A_653 = arith.addf %add3A_537, %mul3A_652 : vector<16xf32>
          %mul3A_654 = arith.mulf %bitcast_convert_type3A_619, %get3A_651 : vector<16xf32>
          %add3A_655 = arith.addf %add3A_539, %mul3A_654 : vector<16xf32>
          %get3A_656 = arith.constant 4 : i32
          %get3A_657 = arith.index_cast %get3A_656 : i32 to index
          %get3A_658 = arith.index_cast %add3A_579 : i32 to index
          %get3A_659 = tpu.vector_load %arg10[%get3A_657, %get3A_658] {strides = array<i32>} : memref<8x768xf32, #tpu.memory_space<vmem>>, vector<1x16xf32>,
          %get3A_660 = vector.shape_cast %get3A_659 : vector<1x16xf32> to vector<16xf32>
          %mul3A_661 = arith.mulf %bitcast_convert_type3A_598, %get3A_660 : vector<16xf32>
          %add3A_662 = arith.addf %add3A_546, %mul3A_661 : vector<16xf32>
          %mul3A_663 = arith.mulf %bitcast_convert_type3A_619, %get3A_660 : vector<16xf32>
          %add3A_664 = arith.addf %add3A_548, %mul3A_663 : vector<16xf32>
          %get3A_665 = arith.constant 5 : i32
          %get3A_666 = arith.index_cast %get3A_665 : i32 to index
          %get3A_667 = arith.index_cast %add3A_579 : i32 to index
          %get3A_668 = tpu.vector_load %arg10[%get3A_666, %get3A_667] {strides = array<i32>} : memref<8x768xf32, #tpu.memory_space<vmem>>, vector<1x16xf32>,
          %get3A_669 = vector.shape_cast %get3A_668 : vector<1x16xf32> to vector<16xf32>
          %mul3A_670 = arith.mulf %bitcast_convert_type3A_598, %get3A_669 : vector<16xf32>
          %add3A_671 = arith.addf %add3A_555, %mul3A_670 : vector<16xf32>
          %mul3A_672 = arith.mulf %bitcast_convert_type3A_619, %get3A_669 : vector<16xf32>
          %add3A_673 = arith.addf %add3A_557, %mul3A_672 : vector<16xf32>
          %get3A_674 = arith.constant 6 : i32
          %get3A_675 = arith.index_cast %get3A_674 : i32 to index
          %get3A_676 = arith.index_cast %add3A_579 : i32 to index
          %get3A_677 = tpu.vector_load %arg10[%get3A_675, %get3A_676] {strides = array<i32>} : memref<8x768xf32, #tpu.memory_space<vmem>>, vector<1x16xf32>,
          %get3A_678 = vector.shape_cast %get3A_677 : vector<1x16xf32> to vector<16xf32>
          %mul3A_679 = arith.mulf %bitcast_convert_type3A_598, %get3A_678 : vector<16xf32>
          %add3A_680 = arith.addf %add3A_564, %mul3A_679 : vector<16xf32>
          %mul3A_681 = arith.mulf %bitcast_convert_type3A_619, %get3A_678 : vector<16xf32>
          %add3A_682 = arith.addf %add3A_566, %mul3A_681 : vector<16xf32>
          %get3A_683 = arith.constant 7 : i32
          %get3A_684 = arith.index_cast %get3A_683 : i32 to index
          %get3A_685 = arith.index_cast %add3A_579 : i32 to index
          %get3A_686 = tpu.vector_load %arg10[%get3A_684, %get3A_685] {strides = array<i32>} : memref<8x768xf32, #tpu.memory_space<vmem>>, vector<1x16xf32>,
          %get3A_687 = vector.shape_cast %get3A_686 : vector<1x16xf32> to vector<16xf32>
          %mul3A_688 = arith.mulf %bitcast_convert_type3A_598, %get3A_687 : vector<16xf32>
          %add3A_689 = arith.addf %add3A_573, %mul3A_688 : vector<16xf32>
          %mul3A_690 = arith.mulf %bitcast_convert_type3A_619, %get3A_687 : vector<16xf32>
          %add3A_691 = arith.addf %add3A_575, %mul3A_690 : vector<16xf32>
          %mul3A_692 = arith.constant 64 : i32
          %mul3A_693 = arith.muli %scan3A_445, %mul3A_692 : i32
          %add3A_694 = arith.constant 32 : i32
          %add3A_695 = arith.addi %mul3A_693, %add3A_694 : i32
          %get3A_696 = arith.index_cast %mul3A_82 : i32 to index
          %get3A_697 = arith.index_cast %add3A_695 : i32 to index
          %get3A_698 = tpu.vector_load %arg11[%get3A_696, %get3A_697] {strides = array<i32>} : memref<16x768xf32, #tpu.memory_space<vmem>>, vector<1x16xf32>,
          %get3A_699 = vector.shape_cast %get3A_698 : vector<1x16xf32> to vector<16xf32>
          %bitcast_convert_type3A_700 = tpu.bitcast %get3A_699 : vector<16xf32> -> vector<16xi32>
          %shift_right_logical3A_701 = arith.constant 16 : i32
          %shift_right_logical3A_702 = vector.broadcast %shift_right_logical3A_701 : i32 to vector<16xi32>
          %shift_right_logical3A_703 = arith.shrui %bitcast_convert_type3A_700, %shift_right_logical3A_702 : vector<16xi32>
          %and3A_704 = arith.constant 1 : i32
          %and3A_705 = vector.broadcast %and3A_704 : i32 to vector<16xi32>
          %and3A_706 = arith.andi %shift_right_logical3A_703, %and3A_705 : vector<16xi32>
          %add3A_707 = arith.constant 32767 : i32
          %add3A_708 = vector.broadcast %add3A_707 : i32 to vector<16xi32>
          %add3A_709 = arith.addi %bitcast_convert_type3A_700, %add3A_708 : vector<16xi32>
          %add3A_710 = arith.addi %add3A_709, %and3A_706 : vector<16xi32>
          %and3A_711 = arith.constant -65536 : i32
          %and3A_712 = vector.broadcast %and3A_711 : i32 to vector<16xi32>
          %and3A_713 = arith.andi %add3A_710, %and3A_712 : vector<16xi32>
          %bitcast_convert_type3A_714 = tpu.bitcast %and3A_713 : vector<16xi32> -> vector<16xf32>
          %add3A_715 = arith.constant 1 : i32
          %add3A_716 = arith.addi %mul3A_82, %add3A_715 : i32
          %get3A_717 = arith.index_cast %add3A_716 : i32 to index
          %get3A_718 = arith.index_cast %add3A_695 : i32 to index
          %get3A_719 = tpu.vector_load %arg11[%get3A_717, %get3A_718] {strides = array<i32>} : memref<16x768xf32, #tpu.memory_space<vmem>>, vector<1x16xf32>,
          %get3A_720 = vector.shape_cast %get3A_719 : vector<1x16xf32> to vector<16xf32>
          %bitcast_convert_type3A_721 = tpu.bitcast %get3A_720 : vector<16xf32> -> vector<16xi32>
          %shift_right_logical3A_722 = arith.constant 16 : i32
          %shift_right_logical3A_723 = vector.broadcast %shift_right_logical3A_722 : i32 to vector<16xi32>
          %shift_right_logical3A_724 = arith.shrui %bitcast_convert_type3A_721, %shift_right_logical3A_723 : vector<16xi32>
          %and3A_725 = arith.constant 1 : i32
          %and3A_726 = vector.broadcast %and3A_725 : i32 to vector<16xi32>
          %and3A_727 = arith.andi %shift_right_logical3A_724, %and3A_726 : vector<16xi32>
          %add3A_728 = arith.constant 32767 : i32
          %add3A_729 = vector.broadcast %add3A_728 : i32 to vector<16xi32>
          %add3A_730 = arith.addi %bitcast_convert_type3A_721, %add3A_729 : vector<16xi32>
          %add3A_731 = arith.addi %add3A_730, %and3A_727 : vector<16xi32>
          %and3A_732 = arith.constant -65536 : i32
          %and3A_733 = vector.broadcast %and3A_732 : i32 to vector<16xi32>
          %and3A_734 = arith.andi %add3A_731, %and3A_733 : vector<16xi32>
          %bitcast_convert_type3A_735 = tpu.bitcast %and3A_734 : vector<16xi32> -> vector<16xf32>
          %get3A_736 = arith.constant 0 : i32
          %get3A_737 = arith.index_cast %get3A_736 : i32 to index
          %get3A_738 = arith.index_cast %add3A_695 : i32 to index
          %get3A_739 = tpu.vector_load %arg10[%get3A_737, %get3A_738] {strides = array<i32>} : memref<8x768xf32, #tpu.memory_space<vmem>>, vector<1x16xf32>,
          %get3A_740 = vector.shape_cast %get3A_739 : vector<1x16xf32> to vector<16xf32>
          %mul3A_741 = arith.mulf %bitcast_convert_type3A_714, %get3A_740 : vector<16xf32>
          %add3A_742 = arith.addf %add3A_626, %mul3A_741 : vector<16xf32>
          %mul3A_743 = arith.mulf %bitcast_convert_type3A_735, %get3A_740 : vector<16xf32>
          %add3A_744 = arith.addf %add3A_628, %mul3A_743 : vector<16xf32>
          %get3A_745 = arith.constant 1 : i32
          %get3A_746 = arith.index_cast %get3A_745 : i32 to index
          %get3A_747 = arith.index_cast %add3A_695 : i32 to index
          %get3A_748 = tpu.vector_load %arg10[%get3A_746, %get3A_747] {strides = array<i32>} : memref<8x768xf32, #tpu.memory_space<vmem>>, vector<1x16xf32>,
          %get3A_749 = vector.shape_cast %get3A_748 : vector<1x16xf32> to vector<16xf32>
          %mul3A_750 = arith.mulf %bitcast_convert_type3A_714, %get3A_749 : vector<16xf32>
          %add3A_751 = arith.addf %add3A_635, %mul3A_750 : vector<16xf32>
          %mul3A_752 = arith.mulf %bitcast_convert_type3A_735, %get3A_749 : vector<16xf32>
          %add3A_753 = arith.addf %add3A_637, %mul3A_752 : vector<16xf32>
          %get3A_754 = arith.constant 2 : i32
          %get3A_755 = arith.index_cast %get3A_754 : i32 to index
          %get3A_756 = arith.index_cast %add3A_695 : i32 to index
          %get3A_757 = tpu.vector_load %arg10[%get3A_755, %get3A_756] {strides = array<i32>} : memref<8x768xf32, #tpu.memory_space<vmem>>, vector<1x16xf32>,
          %get3A_758 = vector.shape_cast %get3A_757 : vector<1x16xf32> to vector<16xf32>
          %mul3A_759 = arith.mulf %bitcast_convert_type3A_714, %get3A_758 : vector<16xf32>
          %add3A_760 = arith.addf %add3A_644, %mul3A_759 : vector<16xf32>
          %mul3A_761 = arith.mulf %bitcast_convert_type3A_735, %get3A_758 : vector<16xf32>
          %add3A_762 = arith.addf %add3A_646, %mul3A_761 : vector<16xf32>
          %get3A_763 = arith.constant 3 : i32
          %get3A_764 = arith.index_cast %get3A_763 : i32 to index
          %get3A_765 = arith.index_cast %add3A_695 : i32 to index
          %get3A_766 = tpu.vector_load %arg10[%get3A_764, %get3A_765] {strides = array<i32>} : memref<8x768xf32, #tpu.memory_space<vmem>>, vector<1x16xf32>,
          %get3A_767 = vector.shape_cast %get3A_766 : vector<1x16xf32> to vector<16xf32>
          %mul3A_768 = arith.mulf %bitcast_convert_type3A_714, %get3A_767 : vector<16xf32>
          %add3A_769 = arith.addf %add3A_653, %mul3A_768 : vector<16xf32>
          %mul3A_770 = arith.mulf %bitcast_convert_type3A_735, %get3A_767 : vector<16xf32>
          %add3A_771 = arith.addf %add3A_655, %mul3A_770 : vector<16xf32>
          %get3A_772 = arith.constant 4 : i32
          %get3A_773 = arith.index_cast %get3A_772 : i32 to index
          %get3A_774 = arith.index_cast %add3A_695 : i32 to index
          %get3A_775 = tpu.vector_load %arg10[%get3A_773, %get3A_774] {strides = array<i32>} : memref<8x768xf32, #tpu.memory_space<vmem>>, vector<1x16xf32>,
          %get3A_776 = vector.shape_cast %get3A_775 : vector<1x16xf32> to vector<16xf32>
          %mul3A_777 = arith.mulf %bitcast_convert_type3A_714, %get3A_776 : vector<16xf32>
          %add3A_778 = arith.addf %add3A_662, %mul3A_777 : vector<16xf32>
          %mul3A_779 = arith.mulf %bitcast_convert_type3A_735, %get3A_776 : vector<16xf32>
          %add3A_780 = arith.addf %add3A_664, %mul3A_779 : vector<16xf32>
          %get3A_781 = arith.constant 5 : i32
          %get3A_782 = arith.index_cast %get3A_781 : i32 to index
          %get3A_783 = arith.index_cast %add3A_695 : i32 to index
          %get3A_784 = tpu.vector_load %arg10[%get3A_782, %get3A_783] {strides = array<i32>} : memref<8x768xf32, #tpu.memory_space<vmem>>, vector<1x16xf32>,
          %get3A_785 = vector.shape_cast %get3A_784 : vector<1x16xf32> to vector<16xf32>
          %mul3A_786 = arith.mulf %bitcast_convert_type3A_714, %get3A_785 : vector<16xf32>
          %add3A_787 = arith.addf %add3A_671, %mul3A_786 : vector<16xf32>
          %mul3A_788 = arith.mulf %bitcast_convert_type3A_735, %get3A_785 : vector<16xf32>
          %add3A_789 = arith.addf %add3A_673, %mul3A_788 : vector<16xf32>
          %get3A_790 = arith.constant 6 : i32
          %get3A_791 = arith.index_cast %get3A_790 : i32 to index
          %get3A_792 = arith.index_cast %add3A_695 : i32 to index
          %get3A_793 = tpu.vector_load %arg10[%get3A_791, %get3A_792] {strides = array<i32>} : memref<8x768xf32, #tpu.memory_space<vmem>>, vector<1x16xf32>,
          %get3A_794 = vector.shape_cast %get3A_793 : vector<1x16xf32> to vector<16xf32>
          %mul3A_795 = arith.mulf %bitcast_convert_type3A_714, %get3A_794 : vector<16xf32>
          %add3A_796 = arith.addf %add3A_680, %mul3A_795 : vector<16xf32>
          %mul3A_797 = arith.mulf %bitcast_convert_type3A_735, %get3A_794 : vector<16xf32>
          %add3A_798 = arith.addf %add3A_682, %mul3A_797 : vector<16xf32>
          %get3A_799 = arith.constant 7 : i32
          %get3A_800 = arith.index_cast %get3A_799 : i32 to index
          %get3A_801 = arith.index_cast %add3A_695 : i32 to index
          %get3A_802 = tpu.vector_load %arg10[%get3A_800, %get3A_801] {strides = array<i32>} : memref<8x768xf32, #tpu.memory_space<vmem>>, vector<1x16xf32>,
          %get3A_803 = vector.shape_cast %get3A_802 : vector<1x16xf32> to vector<16xf32>
          %mul3A_804 = arith.mulf %bitcast_convert_type3A_714, %get3A_803 : vector<16xf32>
          %add3A_805 = arith.addf %add3A_689, %mul3A_804 : vector<16xf32>
          %mul3A_806 = arith.mulf %bitcast_convert_type3A_735, %get3A_803 : vector<16xf32>
          %add3A_807 = arith.addf %add3A_691, %mul3A_806 : vector<16xf32>
          %mul3A_808 = arith.constant 64 : i32
          %mul3A_809 = arith.muli %scan3A_445, %mul3A_808 : i32
          %add3A_810 = arith.constant 48 : i32
          %add3A_811 = arith.addi %mul3A_809, %add3A_810 : i32
          %get3A_812 = arith.index_cast %mul3A_82 : i32 to index
          %get3A_813 = arith.index_cast %add3A_811 : i32 to index
          %get3A_814 = tpu.vector_load %arg11[%get3A_812, %get3A_813] {strides = array<i32>} : memref<16x768xf32, #tpu.memory_space<vmem>>, vector<1x16xf32>,
          %get3A_815 = vector.shape_cast %get3A_814 : vector<1x16xf32> to vector<16xf32>
          %bitcast_convert_type3A_816 = tpu.bitcast %get3A_815 : vector<16xf32> -> vector<16xi32>
          %shift_right_logical3A_817 = arith.constant 16 : i32
          %shift_right_logical3A_818 = vector.broadcast %shift_right_logical3A_817 : i32 to vector<16xi32>
          %shift_right_logical3A_819 = arith.shrui %bitcast_convert_type3A_816, %shift_right_logical3A_818 : vector<16xi32>
          %and3A_820 = arith.constant 1 : i32
          %and3A_821 = vector.broadcast %and3A_820 : i32 to vector<16xi32>
          %and3A_822 = arith.andi %shift_right_logical3A_819, %and3A_821 : vector<16xi32>
          %add3A_823 = arith.constant 32767 : i32
          %add3A_824 = vector.broadcast %add3A_823 : i32 to vector<16xi32>
          %add3A_825 = arith.addi %bitcast_convert_type3A_816, %add3A_824 : vector<16xi32>
          %add3A_826 = arith.addi %add3A_825, %and3A_822 : vector<16xi32>
          %and3A_827 = arith.constant -65536 : i32
          %and3A_828 = vector.broadcast %and3A_827 : i32 to vector<16xi32>
          %and3A_829 = arith.andi %add3A_826, %and3A_828 : vector<16xi32>
          %bitcast_convert_type3A_830 = tpu.bitcast %and3A_829 : vector<16xi32> -> vector<16xf32>
          %add3A_831 = arith.constant 1 : i32
          %add3A_832 = arith.addi %mul3A_82, %add3A_831 : i32
          %get3A_833 = arith.index_cast %add3A_832 : i32 to index
          %get3A_834 = arith.index_cast %add3A_811 : i32 to index
          %get3A_835 = tpu.vector_load %arg11[%get3A_833, %get3A_834] {strides = array<i32>} : memref<16x768xf32, #tpu.memory_space<vmem>>, vector<1x16xf32>,
          %get3A_836 = vector.shape_cast %get3A_835 : vector<1x16xf32> to vector<16xf32>
          %bitcast_convert_type3A_837 = tpu.bitcast %get3A_836 : vector<16xf32> -> vector<16xi32>
          %shift_right_logical3A_838 = arith.constant 16 : i32
          %shift_right_logical3A_839 = vector.broadcast %shift_right_logical3A_838 : i32 to vector<16xi32>
          %shift_right_logical3A_840 = arith.shrui %bitcast_convert_type3A_837, %shift_right_logical3A_839 : vector<16xi32>
          %and3A_841 = arith.constant 1 : i32
          %and3A_842 = vector.broadcast %and3A_841 : i32 to vector<16xi32>
          %and3A_843 = arith.andi %shift_right_logical3A_840, %and3A_842 : vector<16xi32>
          %add3A_844 = arith.constant 32767 : i32
          %add3A_845 = vector.broadcast %add3A_844 : i32 to vector<16xi32>
          %add3A_846 = arith.addi %bitcast_convert_type3A_837, %add3A_845 : vector<16xi32>
          %add3A_847 = arith.addi %add3A_846, %and3A_843 : vector<16xi32>
          %and3A_848 = arith.constant -65536 : i32
          %and3A_849 = vector.broadcast %and3A_848 : i32 to vector<16xi32>
          %and3A_850 = arith.andi %add3A_847, %and3A_849 : vector<16xi32>
          %bitcast_convert_type3A_851 = tpu.bitcast %and3A_850 : vector<16xi32> -> vector<16xf32>
          %get3A_852 = arith.constant 0 : i32
          %get3A_853 = arith.index_cast %get3A_852 : i32 to index
          %get3A_854 = arith.index_cast %add3A_811 : i32 to index
          %get3A_855 = tpu.vector_load %arg10[%get3A_853, %get3A_854] {strides = array<i32>} : memref<8x768xf32, #tpu.memory_space<vmem>>, vector<1x16xf32>,
          %get3A_856 = vector.shape_cast %get3A_855 : vector<1x16xf32> to vector<16xf32>
          %mul3A_857 = arith.mulf %bitcast_convert_type3A_830, %get3A_856 : vector<16xf32>
          %add3A_858 = arith.addf %add3A_742, %mul3A_857 : vector<16xf32>
          %mul3A_859 = arith.mulf %bitcast_convert_type3A_851, %get3A_856 : vector<16xf32>
          %add3A_860 = arith.addf %add3A_744, %mul3A_859 : vector<16xf32>
          %get3A_861 = arith.constant 1 : i32
          %get3A_862 = arith.index_cast %get3A_861 : i32 to index
          %get3A_863 = arith.index_cast %add3A_811 : i32 to index
          %get3A_864 = tpu.vector_load %arg10[%get3A_862, %get3A_863] {strides = array<i32>} : memref<8x768xf32, #tpu.memory_space<vmem>>, vector<1x16xf32>,
          %get3A_865 = vector.shape_cast %get3A_864 : vector<1x16xf32> to vector<16xf32>
          %mul3A_866 = arith.mulf %bitcast_convert_type3A_830, %get3A_865 : vector<16xf32>
          %add3A_867 = arith.addf %add3A_751, %mul3A_866 : vector<16xf32>
          %mul3A_868 = arith.mulf %bitcast_convert_type3A_851, %get3A_865 : vector<16xf32>
          %add3A_869 = arith.addf %add3A_753, %mul3A_868 : vector<16xf32>
          %get3A_870 = arith.constant 2 : i32
          %get3A_871 = arith.index_cast %get3A_870 : i32 to index
          %get3A_872 = arith.index_cast %add3A_811 : i32 to index
          %get3A_873 = tpu.vector_load %arg10[%get3A_871, %get3A_872] {strides = array<i32>} : memref<8x768xf32, #tpu.memory_space<vmem>>, vector<1x16xf32>,
          %get3A_874 = vector.shape_cast %get3A_873 : vector<1x16xf32> to vector<16xf32>
          %mul3A_875 = arith.mulf %bitcast_convert_type3A_830, %get3A_874 : vector<16xf32>
          %add3A_876 = arith.addf %add3A_760, %mul3A_875 : vector<16xf32>
          %mul3A_877 = arith.mulf %bitcast_convert_type3A_851, %get3A_874 : vector<16xf32>
          %add3A_878 = arith.addf %add3A_762, %mul3A_877 : vector<16xf32>
          %get3A_879 = arith.constant 3 : i32
          %get3A_880 = arith.index_cast %get3A_879 : i32 to index
          %get3A_881 = arith.index_cast %add3A_811 : i32 to index
          %get3A_882 = tpu.vector_load %arg10[%get3A_880, %get3A_881] {strides = array<i32>} : memref<8x768xf32, #tpu.memory_space<vmem>>, vector<1x16xf32>,
          %get3A_883 = vector.shape_cast %get3A_882 : vector<1x16xf32> to vector<16xf32>
          %mul3A_884 = arith.mulf %bitcast_convert_type3A_830, %get3A_883 : vector<16xf32>
          %add3A_885 = arith.addf %add3A_769, %mul3A_884 : vector<16xf32>
          %mul3A_886 = arith.mulf %bitcast_convert_type3A_851, %get3A_883 : vector<16xf32>
          %add3A_887 = arith.addf %add3A_771, %mul3A_886 : vector<16xf32>
          %get3A_888 = arith.constant 4 : i32
          %get3A_889 = arith.index_cast %get3A_888 : i32 to index
          %get3A_890 = arith.index_cast %add3A_811 : i32 to index
          %get3A_891 = tpu.vector_load %arg10[%get3A_889, %get3A_890] {strides = array<i32>} : memref<8x768xf32, #tpu.memory_space<vmem>>, vector<1x16xf32>,
          %get3A_892 = vector.shape_cast %get3A_891 : vector<1x16xf32> to vector<16xf32>
          %mul3A_893 = arith.mulf %bitcast_convert_type3A_830, %get3A_892 : vector<16xf32>
          %add3A_894 = arith.addf %add3A_778, %mul3A_893 : vector<16xf32>
          %mul3A_895 = arith.mulf %bitcast_convert_type3A_851, %get3A_892 : vector<16xf32>
          %add3A_896 = arith.addf %add3A_780, %mul3A_895 : vector<16xf32>
          %get3A_897 = arith.constant 5 : i32
          %get3A_898 = arith.index_cast %get3A_897 : i32 to index
          %get3A_899 = arith.index_cast %add3A_811 : i32 to index
          %get3A_900 = tpu.vector_load %arg10[%get3A_898, %get3A_899] {strides = array<i32>} : memref<8x768xf32, #tpu.memory_space<vmem>>, vector<1x16xf32>,
          %get3A_901 = vector.shape_cast %get3A_900 : vector<1x16xf32> to vector<16xf32>
          %mul3A_902 = arith.mulf %bitcast_convert_type3A_830, %get3A_901 : vector<16xf32>
          %add3A_903 = arith.addf %add3A_787, %mul3A_902 : vector<16xf32>
          %mul3A_904 = arith.mulf %bitcast_convert_type3A_851, %get3A_901 : vector<16xf32>
          %add3A_905 = arith.addf %add3A_789, %mul3A_904 : vector<16xf32>
          %get3A_906 = arith.constant 6 : i32
          %get3A_907 = arith.index_cast %get3A_906 : i32 to index
          %get3A_908 = arith.index_cast %add3A_811 : i32 to index
          %get3A_909 = tpu.vector_load %arg10[%get3A_907, %get3A_908] {strides = array<i32>} : memref<8x768xf32, #tpu.memory_space<vmem>>, vector<1x16xf32>,
          %get3A_910 = vector.shape_cast %get3A_909 : vector<1x16xf32> to vector<16xf32>
          %mul3A_911 = arith.mulf %bitcast_convert_type3A_830, %get3A_910 : vector<16xf32>
          %add3A_912 = arith.addf %add3A_796, %mul3A_911 : vector<16xf32>
          %mul3A_913 = arith.mulf %bitcast_convert_type3A_851, %get3A_910 : vector<16xf32>
          %add3A_914 = arith.addf %add3A_798, %mul3A_913 : vector<16xf32>
          %get3A_915 = arith.constant 7 : i32
          %get3A_916 = arith.index_cast %get3A_915 : i32 to index
          %get3A_917 = arith.index_cast %add3A_811 : i32 to index
          %get3A_918 = tpu.vector_load %arg10[%get3A_916, %get3A_917] {strides = array<i32>} : memref<8x768xf32, #tpu.memory_space<vmem>>, vector<1x16xf32>,
          %get3A_919 = vector.shape_cast %get3A_918 : vector<1x16xf32> to vector<16xf32>
          %mul3A_920 = arith.mulf %bitcast_convert_type3A_830, %get3A_919 : vector<16xf32>
          %add3A_921 = arith.addf %add3A_805, %mul3A_920 : vector<16xf32>
          %mul3A_922 = arith.mulf %bitcast_convert_type3A_851, %get3A_919 : vector<16xf32>
          %add3A_923 = arith.addf %add3A_807, %mul3A_922 : vector<16xf32>
          scf.yield %add3A_858, %add3A_867, %add3A_876, %add3A_885, %add3A_894, %add3A_903, %add3A_912, %add3A_921, %add3A_860, %add3A_869, %add3A_878, %add3A_887, %add3A_896, %add3A_905, %add3A_914, %add3A_923 : vector<16xf32>, vector<16xf32>, vector<16xf32>, vector<16xf32>, vector<16xf32>, vector<16xf32>, vector<16xf32>, vector<16xf32>, vector<16xf32>, vector<16xf32>, vector<16xf32>, vector<16xf32>, vector<16xf32>, vector<16xf32>, vector<16xf32>, vector<16xf32>
        }
        %scan3A_88 = arith.constant 12 : i32
        %and3A_89 = arith.constant 1 : i32
        %and3A_90 = vector.broadcast %and3A_89 : i32 to vector<16xi32>
        %and3A_91 = arith.andi %iota3A, %and3A_90 : vector<16xi32>
        %eq3A = arith.constant 0 : i32
        %eq3A_92 = vector.broadcast %eq3A : i32 to vector<16xi32>
        %eq3A_93 = arith.cmpi eq, %and3A_91, %eq3A_92 : vector<16xi32>
        %xor3A = arith.constant 1 : i32
        %xor3A_94 = vector.broadcast %xor3A : i32 to vector<16xi32>
        %xor3A_95 = arith.xori %iota3A, %xor3A_94 : vector<16xi32>
        %select_n3A = arith.select %eq3A_93, %scan3A_87#0, %scan3A_87#1 : vector<16xi1>, vector<16xf32>
        %reshape3A = vector.shape_cast %xor3A_95 : vector<16xi32> to vector<16x1xi32>
        %gather3A = vector.shape_cast %reshape3A : vector<16x1xi32> to vector<16xi32>
        %gather3A_96 = tpu.dynamic_gather %scan3A_87#0[%gather3A] in [0] : vector<16xf32>, vector<16xi32> -> vector<16xf32>
        %reshape3A_97 = vector.shape_cast %xor3A_95 : vector<16xi32> to vector<16x1xi32>
        %gather3A_98 = vector.shape_cast %reshape3A_97 : vector<16x1xi32> to vector<16xi32>
        %gather3A_99 = tpu.dynamic_gather %scan3A_87#1[%gather3A_98] in [0] : vector<16xf32>, vector<16xi32> -> vector<16xf32>
        %select_n3A_100 = arith.select %eq3A_93, %gather3A_96, %gather3A_99 : vector<16xi1>, vector<16xf32>
        %add3A_101 = arith.addf %select_n3A, %select_n3A_100 : vector<16xf32>
        %select_n3A_102 = arith.select %eq3A_93, %scan3A_87#2, %scan3A_87#3 : vector<16xi1>, vector<16xf32>
        %reshape3A_103 = vector.shape_cast %xor3A_95 : vector<16xi32> to vector<16x1xi32>
        %gather3A_104 = vector.shape_cast %reshape3A_103 : vector<16x1xi32> to vector<16xi32>
        %gather3A_105 = tpu.dynamic_gather %scan3A_87#2[%gather3A_104] in [0] : vector<16xf32>, vector<16xi32> -> vector<16xf32>
        %reshape3A_106 = vector.shape_cast %xor3A_95 : vector<16xi32> to vector<16x1xi32>
        %gather3A_107 = vector.shape_cast %reshape3A_106 : vector<16x1xi32> to vector<16xi32>
        %gather3A_108 = tpu.dynamic_gather %scan3A_87#3[%gather3A_107] in [0] : vector<16xf32>, vector<16xi32> -> vector<16xf32>
        %select_n3A_109 = arith.select %eq3A_93, %gather3A_105, %gather3A_108 : vector<16xi1>, vector<16xf32>
        %add3A_110 = arith.addf %select_n3A_102, %select_n3A_109 : vector<16xf32>
        %select_n3A_111 = arith.select %eq3A_93, %scan3A_87#4, %scan3A_87#5 : vector<16xi1>, vector<16xf32>
        %reshape3A_112 = vector.shape_cast %xor3A_95 : vector<16xi32> to vector<16x1xi32>
        %gather3A_113 = vector.shape_cast %reshape3A_112 : vector<16x1xi32> to vector<16xi32>
        %gather3A_114 = tpu.dynamic_gather %scan3A_87#4[%gather3A_113] in [0] : vector<16xf32>, vector<16xi32> -> vector<16xf32>
        %reshape3A_115 = vector.shape_cast %xor3A_95 : vector<16xi32> to vector<16x1xi32>
        %gather3A_116 = vector.shape_cast %reshape3A_115 : vector<16x1xi32> to vector<16xi32>
        %gather3A_117 = tpu.dynamic_gather %scan3A_87#5[%gather3A_116] in [0] : vector<16xf32>, vector<16xi32> -> vector<16xf32>
        %select_n3A_118 = arith.select %eq3A_93, %gather3A_114, %gather3A_117 : vector<16xi1>, vector<16xf32>
        %add3A_119 = arith.addf %select_n3A_111, %select_n3A_118 : vector<16xf32>
        %select_n3A_120 = arith.select %eq3A_93, %scan3A_87#6, %scan3A_87#7 : vector<16xi1>, vector<16xf32>
        %reshape3A_121 = vector.shape_cast %xor3A_95 : vector<16xi32> to vector<16x1xi32>
        %gather3A_122 = vector.shape_cast %reshape3A_121 : vector<16x1xi32> to vector<16xi32>
        %gather3A_123 = tpu.dynamic_gather %scan3A_87#6[%gather3A_122] in [0] : vector<16xf32>, vector<16xi32> -> vector<16xf32>
        %reshape3A_124 = vector.shape_cast %xor3A_95 : vector<16xi32> to vector<16x1xi32>
        %gather3A_125 = vector.shape_cast %reshape3A_124 : vector<16x1xi32> to vector<16xi32>
        %gather3A_126 = tpu.dynamic_gather %scan3A_87#7[%gather3A_125] in [0] : vector<16xf32>, vector<16xi32> -> vector<16xf32>
        %select_n3A_127 = arith.select %eq3A_93, %gather3A_123, %gather3A_126 : vector<16xi1>, vector<16xf32>
        %add3A_128 = arith.addf %select_n3A_120, %select_n3A_127 : vector<16xf32>
        %select_n3A_129 = arith.select %eq3A_93, %scan3A_87#8, %scan3A_87#9 : vector<16xi1>, vector<16xf32>
        %reshape3A_130 = vector.shape_cast %xor3A_95 : vector<16xi32> to vector<16x1xi32>
        %gather3A_131 = vector.shape_cast %reshape3A_130 : vector<16x1xi32> to vector<16xi32>
        %gather3A_132 = tpu.dynamic_gather %scan3A_87#8[%gather3A_131] in [0] : vector<16xf32>, vector<16xi32> -> vector<16xf32>
        %reshape3A_133 = vector.shape_cast %xor3A_95 : vector<16xi32> to vector<16x1xi32>
        %gather3A_134 = vector.shape_cast %reshape3A_133 : vector<16x1xi32> to vector<16xi32>
        %gather3A_135 = tpu.dynamic_gather %scan3A_87#9[%gather3A_134] in [0] : vector<16xf32>, vector<16xi32> -> vector<16xf32>
        %select_n3A_136 = arith.select %eq3A_93, %gather3A_132, %gather3A_135 : vector<16xi1>, vector<16xf32>
        %add3A_137 = arith.addf %select_n3A_129, %select_n3A_136 : vector<16xf32>
        %select_n3A_138 = arith.select %eq3A_93, %scan3A_87#10, %scan3A_87#11 : vector<16xi1>, vector<16xf32>
        %reshape3A_139 = vector.shape_cast %xor3A_95 : vector<16xi32> to vector<16x1xi32>
        %gather3A_140 = vector.shape_cast %reshape3A_139 : vector<16x1xi32> to vector<16xi32>
        %gather3A_141 = tpu.dynamic_gather %scan3A_87#10[%gather3A_140] in [0] : vector<16xf32>, vector<16xi32> -> vector<16xf32>
        %reshape3A_142 = vector.shape_cast %xor3A_95 : vector<16xi32> to vector<16x1xi32>
        %gather3A_143 = vector.shape_cast %reshape3A_142 : vector<16x1xi32> to vector<16xi32>
        %gather3A_144 = tpu.dynamic_gather %scan3A_87#11[%gather3A_143] in [0] : vector<16xf32>, vector<16xi32> -> vector<16xf32>
        %select_n3A_145 = arith.select %eq3A_93, %gather3A_141, %gather3A_144 : vector<16xi1>, vector<16xf32>
        %add3A_146 = arith.addf %select_n3A_138, %select_n3A_145 : vector<16xf32>
        %select_n3A_147 = arith.select %eq3A_93, %scan3A_87#12, %scan3A_87#13 : vector<16xi1>, vector<16xf32>
        %reshape3A_148 = vector.shape_cast %xor3A_95 : vector<16xi32> to vector<16x1xi32>
        %gather3A_149 = vector.shape_cast %reshape3A_148 : vector<16x1xi32> to vector<16xi32>
        %gather3A_150 = tpu.dynamic_gather %scan3A_87#12[%gather3A_149] in [0] : vector<16xf32>, vector<16xi32> -> vector<16xf32>
        %reshape3A_151 = vector.shape_cast %xor3A_95 : vector<16xi32> to vector<16x1xi32>
        %gather3A_152 = vector.shape_cast %reshape3A_151 : vector<16x1xi32> to vector<16xi32>
        %gather3A_153 = tpu.dynamic_gather %scan3A_87#13[%gather3A_152] in [0] : vector<16xf32>, vector<16xi32> -> vector<16xf32>
        %select_n3A_154 = arith.select %eq3A_93, %gather3A_150, %gather3A_153 : vector<16xi1>, vector<16xf32>
        %add3A_155 = arith.addf %select_n3A_147, %select_n3A_154 : vector<16xf32>
        %select_n3A_156 = arith.select %eq3A_93, %scan3A_87#14, %scan3A_87#15 : vector<16xi1>, vector<16xf32>
        %reshape3A_157 = vector.shape_cast %xor3A_95 : vector<16xi32> to vector<16x1xi32>
        %gather3A_158 = vector.shape_cast %reshape3A_157 : vector<16x1xi32> to vector<16xi32>
        %gather3A_159 = tpu.dynamic_gather %scan3A_87#14[%gather3A_158] in [0] : vector<16xf32>, vector<16xi32> -> vector<16xf32>
        %reshape3A_160 = vector.shape_cast %xor3A_95 : vector<16xi32> to vector<16x1xi32>
        %gather3A_161 = vector.shape_cast %reshape3A_160 : vector<16x1xi32> to vector<16xi32>
        %gather3A_162 = tpu.dynamic_gather %scan3A_87#15[%gather3A_161] in [0] : vector<16xf32>, vector<16xi32> -> vector<16xf32>
        %select_n3A_163 = arith.select %eq3A_93, %gather3A_159, %gather3A_162 : vector<16xi1>, vector<16xf32>
        %add3A_164 = arith.addf %select_n3A_156, %select_n3A_163 : vector<16xf32>
        %and3A_165 = arith.constant 2 : i32
        %and3A_166 = vector.broadcast %and3A_165 : i32 to vector<16xi32>
        %and3A_167 = arith.andi %iota3A, %and3A_166 : vector<16xi32>
        %eq3A_168 = arith.constant 0 : i32
        %eq3A_169 = vector.broadcast %eq3A_168 : i32 to vector<16xi32>
        %eq3A_170 = arith.cmpi eq, %and3A_167, %eq3A_169 : vector<16xi32>
        %xor3A_171 = arith.constant 2 : i32
        %xor3A_172 = vector.broadcast %xor3A_171 : i32 to vector<16xi32>
        %xor3A_173 = arith.xori %iota3A, %xor3A_172 : vector<16xi32>
        %select_n3A_174 = arith.select %eq3A_170, %add3A_101, %add3A_110 : vector<16xi1>, vector<16xf32>
        %reshape3A_175 = vector.shape_cast %xor3A_173 : vector<16xi32> to vector<16x1xi32>
        %gather3A_176 = vector.shape_cast %reshape3A_175 : vector<16x1xi32> to vector<16xi32>
        %gather3A_177 = tpu.dynamic_gather %add3A_101[%gather3A_176] in [0] : vector<16xf32>, vector<16xi32> -> vector<16xf32>
        %reshape3A_178 = vector.shape_cast %xor3A_173 : vector<16xi32> to vector<16x1xi32>
        %gather3A_179 = vector.shape_cast %reshape3A_178 : vector<16x1xi32> to vector<16xi32>
        %gather3A_180 = tpu.dynamic_gather %add3A_110[%gather3A_179] in [0] : vector<16xf32>, vector<16xi32> -> vector<16xf32>
        %select_n3A_181 = arith.select %eq3A_170, %gather3A_177, %gather3A_180 : vector<16xi1>, vector<16xf32>
        %add3A_182 = arith.addf %select_n3A_174, %select_n3A_181 : vector<16xf32>
        %select_n3A_183 = arith.select %eq3A_170, %add3A_119, %add3A_128 : vector<16xi1>, vector<16xf32>
        %reshape3A_184 = vector.shape_cast %xor3A_173 : vector<16xi32> to vector<16x1xi32>
        %gather3A_185 = vector.shape_cast %reshape3A_184 : vector<16x1xi32> to vector<16xi32>
        %gather3A_186 = tpu.dynamic_gather %add3A_119[%gather3A_185] in [0] : vector<16xf32>, vector<16xi32> -> vector<16xf32>
        %reshape3A_187 = vector.shape_cast %xor3A_173 : vector<16xi32> to vector<16x1xi32>
        %gather3A_188 = vector.shape_cast %reshape3A_187 : vector<16x1xi32> to vector<16xi32>
        %gather3A_189 = tpu.dynamic_gather %add3A_128[%gather3A_188] in [0] : vector<16xf32>, vector<16xi32> -> vector<16xf32>
        %select_n3A_190 = arith.select %eq3A_170, %gather3A_186, %gather3A_189 : vector<16xi1>, vector<16xf32>
        %add3A_191 = arith.addf %select_n3A_183, %select_n3A_190 : vector<16xf32>
        %select_n3A_192 = arith.select %eq3A_170, %add3A_137, %add3A_146 : vector<16xi1>, vector<16xf32>
        %reshape3A_193 = vector.shape_cast %xor3A_173 : vector<16xi32> to vector<16x1xi32>
        %gather3A_194 = vector.shape_cast %reshape3A_193 : vector<16x1xi32> to vector<16xi32>
        %gather3A_195 = tpu.dynamic_gather %add3A_137[%gather3A_194] in [0] : vector<16xf32>, vector<16xi32> -> vector<16xf32>
        %reshape3A_196 = vector.shape_cast %xor3A_173 : vector<16xi32> to vector<16x1xi32>
        %gather3A_197 = vector.shape_cast %reshape3A_196 : vector<16x1xi32> to vector<16xi32>
        %gather3A_198 = tpu.dynamic_gather %add3A_146[%gather3A_197] in [0] : vector<16xf32>, vector<16xi32> -> vector<16xf32>
        %select_n3A_199 = arith.select %eq3A_170, %gather3A_195, %gather3A_198 : vector<16xi1>, vector<16xf32>
        %add3A_200 = arith.addf %select_n3A_192, %select_n3A_199 : vector<16xf32>
        %select_n3A_201 = arith.select %eq3A_170, %add3A_155, %add3A_164 : vector<16xi1>, vector<16xf32>
        %reshape3A_202 = vector.shape_cast %xor3A_173 : vector<16xi32> to vector<16x1xi32>
        %gather3A_203 = vector.shape_cast %reshape3A_202 : vector<16x1xi32> to vector<16xi32>
        %gather3A_204 = tpu.dynamic_gather %add3A_155[%gather3A_203] in [0] : vector<16xf32>, vector<16xi32> -> vector<16xf32>
        %reshape3A_205 = vector.shape_cast %xor3A_173 : vector<16xi32> to vector<16x1xi32>
        %gather3A_206 = vector.shape_cast %reshape3A_205 : vector<16x1xi32> to vector<16xi32>
        %gather3A_207 = tpu.dynamic_gather %add3A_164[%gather3A_206] in [0] : vector<16xf32>, vector<16xi32> -> vector<16xf32>
        %select_n3A_208 = arith.select %eq3A_170, %gather3A_204, %gather3A_207 : vector<16xi1>, vector<16xf32>
        %add3A_209 = arith.addf %select_n3A_201, %select_n3A_208 : vector<16xf32>
        %and3A_210 = arith.constant 4 : i32
        %and3A_211 = vector.broadcast %and3A_210 : i32 to vector<16xi32>
        %and3A_212 = arith.andi %iota3A, %and3A_211 : vector<16xi32>
        %eq3A_213 = arith.constant 0 : i32
        %eq3A_214 = vector.broadcast %eq3A_213 : i32 to vector<16xi32>
        %eq3A_215 = arith.cmpi eq, %and3A_212, %eq3A_214 : vector<16xi32>
        %xor3A_216 = arith.constant 4 : i32
        %xor3A_217 = vector.broadcast %xor3A_216 : i32 to vector<16xi32>
        %xor3A_218 = arith.xori %iota3A, %xor3A_217 : vector<16xi32>
        %select_n3A_219 = arith.select %eq3A_215, %add3A_182, %add3A_191 : vector<16xi1>, vector<16xf32>
        %reshape3A_220 = vector.shape_cast %xor3A_218 : vector<16xi32> to vector<16x1xi32>
        %gather3A_221 = vector.shape_cast %reshape3A_220 : vector<16x1xi32> to vector<16xi32>
        %gather3A_222 = tpu.dynamic_gather %add3A_182[%gather3A_221] in [0] : vector<16xf32>, vector<16xi32> -> vector<16xf32>
        %reshape3A_223 = vector.shape_cast %xor3A_218 : vector<16xi32> to vector<16x1xi32>
        %gather3A_224 = vector.shape_cast %reshape3A_223 : vector<16x1xi32> to vector<16xi32>
        %gather3A_225 = tpu.dynamic_gather %add3A_191[%gather3A_224] in [0] : vector<16xf32>, vector<16xi32> -> vector<16xf32>
        %select_n3A_226 = arith.select %eq3A_215, %gather3A_222, %gather3A_225 : vector<16xi1>, vector<16xf32>
        %add3A_227 = arith.addf %select_n3A_219, %select_n3A_226 : vector<16xf32>
        %select_n3A_228 = arith.select %eq3A_215, %add3A_200, %add3A_209 : vector<16xi1>, vector<16xf32>
        %reshape3A_229 = vector.shape_cast %xor3A_218 : vector<16xi32> to vector<16x1xi32>
        %gather3A_230 = vector.shape_cast %reshape3A_229 : vector<16x1xi32> to vector<16xi32>
        %gather3A_231 = tpu.dynamic_gather %add3A_200[%gather3A_230] in [0] : vector<16xf32>, vector<16xi32> -> vector<16xf32>
        %reshape3A_232 = vector.shape_cast %xor3A_218 : vector<16xi32> to vector<16x1xi32>
        %gather3A_233 = vector.shape_cast %reshape3A_232 : vector<16x1xi32> to vector<16xi32>
        %gather3A_234 = tpu.dynamic_gather %add3A_209[%gather3A_233] in [0] : vector<16xf32>, vector<16xi32> -> vector<16xf32>
        %select_n3A_235 = arith.select %eq3A_215, %gather3A_231, %gather3A_234 : vector<16xi1>, vector<16xf32>
        %add3A_236 = arith.addf %select_n3A_228, %select_n3A_235 : vector<16xf32>
        %and3A_237 = arith.constant 8 : i32
        %and3A_238 = vector.broadcast %and3A_237 : i32 to vector<16xi32>
        %and3A_239 = arith.andi %iota3A, %and3A_238 : vector<16xi32>
        %eq3A_240 = arith.constant 0 : i32
        %eq3A_241 = vector.broadcast %eq3A_240 : i32 to vector<16xi32>
        %eq3A_242 = arith.cmpi eq, %and3A_239, %eq3A_241 : vector<16xi32>
        %xor3A_243 = arith.constant 8 : i32
        %xor3A_244 = vector.broadcast %xor3A_243 : i32 to vector<16xi32>
        %xor3A_245 = arith.xori %iota3A, %xor3A_244 : vector<16xi32>
        %select_n3A_246 = arith.select %eq3A_242, %add3A_227, %add3A_236 : vector<16xi1>, vector<16xf32>
        %reshape3A_247 = vector.shape_cast %xor3A_245 : vector<16xi32> to vector<16x1xi32>
        %gather3A_248 = vector.shape_cast %reshape3A_247 : vector<16x1xi32> to vector<16xi32>
        %gather3A_249 = tpu.dynamic_gather %add3A_227[%gather3A_248] in [0] : vector<16xf32>, vector<16xi32> -> vector<16xf32>
        %reshape3A_250 = vector.shape_cast %xor3A_245 : vector<16xi32> to vector<16x1xi32>
        %gather3A_251 = vector.shape_cast %reshape3A_250 : vector<16x1xi32> to vector<16xi32>
        %gather3A_252 = tpu.dynamic_gather %add3A_236[%gather3A_251] in [0] : vector<16xf32>, vector<16xi32> -> vector<16xf32>
        %select_n3A_253 = arith.select %eq3A_242, %gather3A_249, %gather3A_252 : vector<16xi1>, vector<16xf32>
        %add3A_254 = arith.addf %select_n3A_246, %select_n3A_253 : vector<16xf32>
        %add3A_255 = arith.addi %mul3A_49, %mul3A_82 : i32
        %mul3A_256 = arith.constant 8 : i32
        %mul3A_257 = arith.muli %add3A_255, %mul3A_256 : i32
        %swap3A_258 = arith.index_cast %mul3A_257 : i32 to index
        %swap3A_259 = tpu.vector_load %arg12[%swap3A_258] {strides = array<i32>} : memref<512xf32, #tpu.memory_space<vmem>>, vector<16xf32>,
        %swap3A_260 = vector.shape_cast %swap3A_259 : vector<16xf32> to vector<16xf32>
        %swap3A_261 = vector.shape_cast %add3A_254 : vector<16xf32> to vector<16xf32>
        tpu.vector_store %arg12[%swap3A_258], %swap3A_261 {strides = array<i32>} : memref<512xf32, #tpu.memory_space<vmem>>, vector<16xf32>,
        %xor3A_262 = arith.constant 1 : i32
        %xor3A_263 = vector.broadcast %xor3A_262 : i32 to vector<16xi32>
        %xor3A_264 = arith.xori %iota3A, %xor3A_263 : vector<16xi32>
        %reshape3A_265 = vector.shape_cast %xor3A_264 : vector<16xi32> to vector<16x1xi32>
        %gather3A_266 = vector.shape_cast %reshape3A_265 : vector<16x1xi32> to vector<16xi32>
        %gather3A_267 = tpu.dynamic_gather %add3A_254[%gather3A_266] in [0] : vector<16xf32>, vector<16xi32> -> vector<16xf32>
        %reshape3A_268 = vector.shape_cast %xor3A_264 : vector<16xi32> to vector<16x1xi32>
        %gather3A_269 = vector.shape_cast %reshape3A_268 : vector<16x1xi32> to vector<16xi32>
        %gather3A_270 = tpu.dynamic_gather %and3A_12[%gather3A_269] in [0] : vector<16xi32>, vector<16xi32> -> vector<16xi32>
        %gt3A = arith.cmpf ogt, %gather3A_267, %add3A_254 : vector<16xf32>
        %eq3A_271 = arith.cmpf oeq, %gather3A_267, %add3A_254 : vector<16xf32>
        %lt3A = arith.cmpi slt, %gather3A_270, %and3A_12 : vector<16xi32>
        %and3A_272 = arith.andi %eq3A_271, %lt3A : vector<16xi1>
        %or3A = arith.ori %gt3A, %and3A_272 : vector<16xi1>
        %select_n3A_273 = arith.select %or3A, %gather3A_267, %add3A_254 : vector<16xi1>, vector<16xf32>
        %select_n3A_274 = arith.select %or3A, %gather3A_270, %and3A_12 : vector<16xi1>, vector<16xi32>
        %xor3A_275 = arith.constant 2 : i32
        %xor3A_276 = vector.broadcast %xor3A_275 : i32 to vector<16xi32>
        %xor3A_277 = arith.xori %iota3A, %xor3A_276 : vector<16xi32>
        %reshape3A_278 = vector.shape_cast %xor3A_277 : vector<16xi32> to vector<16x1xi32>
        %gather3A_279 = vector.shape_cast %reshape3A_278 : vector<16x1xi32> to vector<16xi32>
        %gather3A_280 = tpu.dynamic_gather %select_n3A_273[%gather3A_279] in [0] : vector<16xf32>, vector<16xi32> -> vector<16xf32>
        %reshape3A_281 = vector.shape_cast %xor3A_277 : vector<16xi32> to vector<16x1xi32>
        %gather3A_282 = vector.shape_cast %reshape3A_281 : vector<16x1xi32> to vector<16xi32>
        %gather3A_283 = tpu.dynamic_gather %select_n3A_274[%gather3A_282] in [0] : vector<16xi32>, vector<16xi32> -> vector<16xi32>
        %gt3A_284 = arith.cmpf ogt, %gather3A_280, %select_n3A_273 : vector<16xf32>
        %eq3A_285 = arith.cmpf oeq, %gather3A_280, %select_n3A_273 : vector<16xf32>
        %lt3A_286 = arith.cmpi slt, %gather3A_283, %select_n3A_274 : vector<16xi32>
        %and3A_287 = arith.andi %eq3A_285, %lt3A_286 : vector<16xi1>
        %or3A_288 = arith.ori %gt3A_284, %and3A_287 : vector<16xi1>
        %select_n3A_289 = arith.select %or3A_288, %gather3A_280, %select_n3A_273 : vector<16xi1>, vector<16xf32>
        %select_n3A_290 = arith.select %or3A_288, %gather3A_283, %select_n3A_274 : vector<16xi1>, vector<16xi32>
        %xor3A_291 = arith.constant 4 : i32
        %xor3A_292 = vector.broadcast %xor3A_291 : i32 to vector<16xi32>
        %xor3A_293 = arith.xori %iota3A, %xor3A_292 : vector<16xi32>
        %reshape3A_294 = vector.shape_cast %xor3A_293 : vector<16xi32> to vector<16x1xi32>
        %gather3A_295 = vector.shape_cast %reshape3A_294 : vector<16x1xi32> to vector<16xi32>
        %gather3A_296 = tpu.dynamic_gather %select_n3A_289[%gather3A_295] in [0] : vector<16xf32>, vector<16xi32> -> vector<16xf32>
        %reshape3A_297 = vector.shape_cast %xor3A_293 : vector<16xi32> to vector<16x1xi32>
        %gather3A_298 = vector.shape_cast %reshape3A_297 : vector<16x1xi32> to vector<16xi32>
        %gather3A_299 = tpu.dynamic_gather %select_n3A_290[%gather3A_298] in [0] : vector<16xi32>, vector<16xi32> -> vector<16xi32>
        %gt3A_300 = arith.cmpf ogt, %gather3A_296, %select_n3A_289 : vector<16xf32>
        %eq3A_301 = arith.cmpf oeq, %gather3A_296, %select_n3A_289 : vector<16xf32>
        %lt3A_302 = arith.cmpi slt, %gather3A_299, %select_n3A_290 : vector<16xi32>
        %and3A_303 = arith.andi %eq3A_301, %lt3A_302 : vector<16xi1>
        %or3A_304 = arith.ori %gt3A_300, %and3A_303 : vector<16xi1>
        %select_n3A_305 = arith.select %or3A_304, %gather3A_296, %select_n3A_289 : vector<16xi1>, vector<16xf32>
        %select_n3A_306 = arith.select %or3A_304, %gather3A_299, %select_n3A_290 : vector<16xi1>, vector<16xi32>
        %eq3A_307 = arith.cmpi eq, %and3A_12, %select_n3A_306 : vector<16xi32>
        %select_n3A_308 = arith.select %eq3A_307, %broadcast_in_dim3A_21, %add3A_254 : vector<16xi1>, vector<16xf32>
        %xor3A_309 = arith.constant 1 : i32
        %xor3A_310 = vector.broadcast %xor3A_309 : i32 to vector<16xi32>
        %xor3A_311 = arith.xori %iota3A, %xor3A_310 : vector<16xi32>
        %reshape3A_312 = vector.shape_cast %xor3A_311 : vector<16xi32> to vector<16x1xi32>
        %gather3A_313 = vector.shape_cast %reshape3A_312 : vector<16x1xi32> to vector<16xi32>
        %gather3A_314 = tpu.dynamic_gather %select_n3A_308[%gather3A_313] in [0] : vector<16xf32>, vector<16xi32> -> vector<16xf32>
        %reshape3A_315 = vector.shape_cast %xor3A_311 : vector<16xi32> to vector<16x1xi32>
        %gather3A_316 = vector.shape_cast %reshape3A_315 : vector<16x1xi32> to vector<16xi32>
        %gather3A_317 = tpu.dynamic_gather %and3A_12[%gather3A_316] in [0] : vector<16xi32>, vector<16xi32> -> vector<16xi32>
        %gt3A_318 = arith.cmpf ogt, %gather3A_314, %select_n3A_308 : vector<16xf32>
        %eq3A_319 = arith.cmpf oeq, %gather3A_314, %select_n3A_308 : vector<16xf32>
        %lt3A_320 = arith.cmpi slt, %gather3A_317, %and3A_12 : vector<16xi32>
        %and3A_321 = arith.andi %eq3A_319, %lt3A_320 : vector<16xi1>
        %or3A_322 = arith.ori %gt3A_318, %and3A_321 : vector<16xi1>
        %select_n3A_323 = arith.select %or3A_322, %gather3A_314, %select_n3A_308 : vector<16xi1>, vector<16xf32>
        %select_n3A_324 = arith.select %or3A_322, %gather3A_317, %and3A_12 : vector<16xi1>, vector<16xi32>
        %xor3A_325 = arith.constant 2 : i32
        %xor3A_326 = vector.broadcast %xor3A_325 : i32 to vector<16xi32>
        %xor3A_327 = arith.xori %iota3A, %xor3A_326 : vector<16xi32>
        %reshape3A_328 = vector.shape_cast %xor3A_327 : vector<16xi32> to vector<16x1xi32>
        %gather3A_329 = vector.shape_cast %reshape3A_328 : vector<16x1xi32> to vector<16xi32>
        %gather3A_330 = tpu.dynamic_gather %select_n3A_323[%gather3A_329] in [0] : vector<16xf32>, vector<16xi32> -> vector<16xf32>
        %reshape3A_331 = vector.shape_cast %xor3A_327 : vector<16xi32> to vector<16x1xi32>
        %gather3A_332 = vector.shape_cast %reshape3A_331 : vector<16x1xi32> to vector<16xi32>
        %gather3A_333 = tpu.dynamic_gather %select_n3A_324[%gather3A_332] in [0] : vector<16xi32>, vector<16xi32> -> vector<16xi32>
        %gt3A_334 = arith.cmpf ogt, %gather3A_330, %select_n3A_323 : vector<16xf32>
        %eq3A_335 = arith.cmpf oeq, %gather3A_330, %select_n3A_323 : vector<16xf32>
        %lt3A_336 = arith.cmpi slt, %gather3A_333, %select_n3A_324 : vector<16xi32>
        %and3A_337 = arith.andi %eq3A_335, %lt3A_336 : vector<16xi1>
        %or3A_338 = arith.ori %gt3A_334, %and3A_337 : vector<16xi1>
        %select_n3A_339 = arith.select %or3A_338, %gather3A_330, %select_n3A_323 : vector<16xi1>, vector<16xf32>
        %select_n3A_340 = arith.select %or3A_338, %gather3A_333, %select_n3A_324 : vector<16xi1>, vector<16xi32>
        %xor3A_341 = arith.constant 4 : i32
        %xor3A_342 = vector.broadcast %xor3A_341 : i32 to vector<16xi32>
        %xor3A_343 = arith.xori %iota3A, %xor3A_342 : vector<16xi32>
        %reshape3A_344 = vector.shape_cast %xor3A_343 : vector<16xi32> to vector<16x1xi32>
        %gather3A_345 = vector.shape_cast %reshape3A_344 : vector<16x1xi32> to vector<16xi32>
        %gather3A_346 = tpu.dynamic_gather %select_n3A_339[%gather3A_345] in [0] : vector<16xf32>, vector<16xi32> -> vector<16xf32>
        %reshape3A_347 = vector.shape_cast %xor3A_343 : vector<16xi32> to vector<16x1xi32>
        %gather3A_348 = vector.shape_cast %reshape3A_347 : vector<16x1xi32> to vector<16xi32>
        %gather3A_349 = tpu.dynamic_gather %select_n3A_340[%gather3A_348] in [0] : vector<16xi32>, vector<16xi32> -> vector<16xi32>
        %gt3A_350 = arith.cmpf ogt, %gather3A_346, %select_n3A_339 : vector<16xf32>
        %eq3A_351 = arith.cmpf oeq, %gather3A_346, %select_n3A_339 : vector<16xf32>
        %lt3A_352 = arith.cmpi slt, %gather3A_349, %select_n3A_340 : vector<16xi32>
        %and3A_353 = arith.andi %eq3A_351, %lt3A_352 : vector<16xi1>
        %or3A_354 = arith.ori %gt3A_350, %and3A_353 : vector<16xi1>
        %select_n3A_355 = arith.select %or3A_354, %gather3A_346, %select_n3A_339 : vector<16xi1>, vector<16xf32>
        %select_n3A_356 = arith.select %or3A_354, %gather3A_349, %select_n3A_340 : vector<16xi1>, vector<16xi32>
        %sub3A = arith.subf %select_n3A_355, %select_n3A_305 : vector<16xf32>
        %exp3A = math.exp %sub3A : vector<16xf32>
        %add3A_357 = arith.constant 1.000000e+00 : f32
        %add3A_358 = vector.broadcast %add3A_357 : f32 to vector<16xf32>
        %add3A_359 = arith.addf %add3A_358, %exp3A : vector<16xf32>
        %div3A = arith.constant 1.000000e+00 : f32
        %div3A_360 = vector.broadcast %div3A : f32 to vector<16xf32>
        %div3A_361 = arith.divf %div3A_360, %add3A_359 : vector<16xf32>
        %div3A_362 = arith.divf %exp3A, %add3A_359 : vector<16xf32>
        %sub3A_363 = arith.subf %add3A_254, %select_n3A_305 : vector<16xf32>
        %exp3A_364 = math.exp %sub3A_363 : vector<16xf32>
        %xor3A_365 = arith.constant 1 : i32
        %xor3A_366 = vector.broadcast %xor3A_365 : i32 to vector<16xi32>
        %xor3A_367 = arith.xori %iota3A, %xor3A_366 : vector<16xi32>
        %reshape3A_368 = vector.shape_cast %xor3A_367 : vector<16xi32> to vector<16x1xi32>
        %gather3A_369 = vector.shape_cast %reshape3A_368 : vector<16x1xi32> to vector<16xi32>
        %gather3A_370 = tpu.dynamic_gather %exp3A_364[%gather3A_369] in [0] : vector<16xf32>, vector<16xi32> -> vector<16xf32>
        %add3A_371 = arith.addf %exp3A_364, %gather3A_370 : vector<16xf32>
        %xor3A_372 = arith.constant 2 : i32
        %xor3A_373 = vector.broadcast %xor3A_372 : i32 to vector<16xi32>
        %xor3A_374 = arith.xori %iota3A, %xor3A_373 : vector<16xi32>
        %reshape3A_375 = vector.shape_cast %xor3A_374 : vector<16xi32> to vector<16x1xi32>
        %gather3A_376 = vector.shape_cast %reshape3A_375 : vector<16x1xi32> to vector<16xi32>
        %gather3A_377 = tpu.dynamic_gather %add3A_371[%gather3A_376] in [0] : vector<16xf32>, vector<16xi32> -> vector<16xf32>
        %add3A_378 = arith.addf %add3A_371, %gather3A_377 : vector<16xf32>
        %xor3A_379 = arith.constant 4 : i32
        %xor3A_380 = vector.broadcast %xor3A_379 : i32 to vector<16xi32>
        %xor3A_381 = arith.xori %iota3A, %xor3A_380 : vector<16xi32>
        %reshape3A_382 = vector.shape_cast %xor3A_381 : vector<16xi32> to vector<16x1xi32>
        %gather3A_383 = vector.shape_cast %reshape3A_382 : vector<16x1xi32> to vector<16xi32>
        %gather3A_384 = tpu.dynamic_gather %add3A_378[%gather3A_383] in [0] : vector<16xf32>, vector<16xi32> -> vector<16xf32>
        %add3A_385 = arith.addf %add3A_378, %gather3A_384 : vector<16xf32>
        %div3A_386 = arith.divf %exp3A_364, %add3A_385 : vector<16xf32>
        %eq3A_387 = arith.cmpi eq, %and3A_12, %select_n3A_306 : vector<16xi32>
        %jit3A = arith.constant 1.000000e+00 : f32
        %jit3A_388 = arith.constant 0.000000e+00 : f32
        %broadcast_in_dim3A_389 = vector.broadcast %jit3A : f32 to vector<16xf32>
        %broadcast_in_dim3A_390 = vector.broadcast %jit3A_388 : f32 to vector<16xf32>
        %select_n3A_391 = arith.select %eq3A_387, %broadcast_in_dim3A_389, %broadcast_in_dim3A_390 : vector<16xi1>, vector<16xf32>
        %eq3A_392 = arith.cmpi eq, %and3A_12, %select_n3A_356 : vector<16xi32>
        %jit3A_393 = arith.constant 1.000000e+00 : f32
        %jit3A_394 = arith.constant 0.000000e+00 : f32
        %broadcast_in_dim3A_395 = vector.broadcast %jit3A_393 : f32 to vector<16xf32>
        %broadcast_in_dim3A_396 = vector.broadcast %jit3A_394 : f32 to vector<16xf32>
        %select_n3A_397 = arith.select %eq3A_392, %broadcast_in_dim3A_395, %broadcast_in_dim3A_396 : vector<16xi1>, vector<16xf32>
        %add3A_398 = arith.addf %select_n3A_391, %select_n3A_397 : vector<16xf32>
        %get3A = arith.constant 0 : i32
        %get3A_399 = arith.index_cast %get3A : i32 to index
        %get3A_400 = arith.constant 0 : index
        %get3A_401 = tpu.vector_load %arg17[%get3A_399, %get3A_400] {strides = array<i32>} : memref<2x16xf32, #tpu.memory_space<vmem>>, vector<1x16xf32>,
        %get3A_402 = vector.shape_cast %get3A_401 : vector<1x16xf32> to vector<16xf32>
        %add3A_403 = arith.addf %get3A_402, %add3A_398 : vector<16xf32>
        %swap3A_404 = arith.constant 0 : i32
        %swap3A_405 = arith.index_cast %swap3A_404 : i32 to index
        %swap3A_406 = arith.constant 0 : index
        %swap3A_407 = tpu.vector_load %arg17[%swap3A_405, %swap3A_406] {strides = array<i32>} : memref<2x16xf32, #tpu.memory_space<vmem>>, vector<1x16xf32>,
        %swap3A_408 = vector.shape_cast %swap3A_407 : vector<1x16xf32> to vector<16xf32>
        %swap3A_409 = vector.shape_cast %add3A_403 : vector<16xf32> to vector<1x16xf32>
        tpu.vector_store %arg17[%swap3A_405, %swap3A_406], %swap3A_409 {strides = array<i32>} : memref<2x16xf32, #tpu.memory_space<vmem>>, vector<1x16xf32>,
        %get3A_410 = arith.constant 1 : i32
        %get3A_411 = arith.index_cast %get3A_410 : i32 to index
        %get3A_412 = arith.constant 0 : index
        %get3A_413 = tpu.vector_load %arg17[%get3A_411, %get3A_412] {strides = array<i32>} : memref<2x16xf32, #tpu.memory_space<vmem>>, vector<1x16xf32>,
        %get3A_414 = vector.shape_cast %get3A_413 : vector<1x16xf32> to vector<16xf32>
        %add3A_415 = arith.addf %get3A_414, %div3A_386 : vector<16xf32>
        %swap3A_416 = arith.constant 1 : i32
        %swap3A_417 = arith.index_cast %swap3A_416 : i32 to index
        %swap3A_418 = arith.constant 0 : index
        %swap3A_419 = tpu.vector_load %arg17[%swap3A_417, %swap3A_418] {strides = array<i32>} : memref<2x16xf32, #tpu.memory_space<vmem>>, vector<1x16xf32>,
        %swap3A_420 = vector.shape_cast %swap3A_419 : vector<1x16xf32> to vector<16xf32>
        %swap3A_421 = vector.shape_cast %add3A_415 : vector<16xf32> to vector<1x16xf32>
        tpu.vector_store %arg17[%swap3A_417, %swap3A_418], %swap3A_421 {strides = array<i32>} : memref<2x16xf32, #tpu.memory_space<vmem>>, vector<1x16xf32>,
        %eq3A_422 = vector.broadcast %mul3A_82 : i32 to vector<16xi32>
        %eq3A_423 = arith.cmpi eq, %iota3A, %eq3A_422 : vector<16xi32>
        %add3A_424 = arith.constant 1 : i32
        %add3A_425 = arith.addi %mul3A_82, %add3A_424 : i32
        %eq3A_426 = vector.broadcast %add3A_425 : i32 to vector<16xi32>
        %eq3A_427 = arith.cmpi eq, %iota3A, %eq3A_426 : vector<16xi32>
        %or3A_428 = arith.ori %eq3A_423, %eq3A_427 : vector<16xi1>
        %reshape3A_429 = vector.shape_cast %mul3A_18 : vector<16xi32> to vector<16x1xi32>
        %gather3A_430 = vector.shape_cast %reshape3A_429 : vector<16x1xi32> to vector<16xi32>
        %gather3A_431 = tpu.dynamic_gather %select_n3A_306[%gather3A_430] in [0] : vector<16xi32>, vector<16xi32> -> vector<16xi32>
        %select_n3A_432 = arith.select %or3A_428, %gather3A_431, %scan3A_77 : vector<16xi1>, vector<16xi32>
        %reshape3A_433 = vector.shape_cast %mul3A_18 : vector<16xi32> to vector<16x1xi32>
        %gather3A_434 = vector.shape_cast %reshape3A_433 : vector<16x1xi32> to vector<16xi32>
        %gather3A_435 = tpu.dynamic_gather %select_n3A_356[%gather3A_434] in [0] : vector<16xi32>, vector<16xi32> -> vector<16xi32>
        %select_n3A_436 = arith.select %or3A_428, %gather3A_435, %scan3A_78 : vector<16xi1>, vector<16xi32>
        %reshape3A_437 = vector.shape_cast %mul3A_18 : vector<16xi32> to vector<16x1xi32>
        %gather3A_438 = vector.shape_cast %reshape3A_437 : vector<16x1xi32> to vector<16xi32>
        %gather3A_439 = tpu.dynamic_gather %div3A_361[%gather3A_438] in [0] : vector<16xf32>, vector<16xi32> -> vector<16xf32>
        %select_n3A_440 = arith.select %or3A_428, %gather3A_439, %scan3A_79 : vector<16xi1>, vector<16xf32>
        %reshape3A_441 = vector.shape_cast %mul3A_18 : vector<16xi32> to vector<16x1xi32>
        %gather3A_442 = vector.shape_cast %reshape3A_441 : vector<16x1xi32> to vector<16xi32>
        %gather3A_443 = tpu.dynamic_gather %div3A_362[%gather3A_442] in [0] : vector<16xf32>, vector<16xi32> -> vector<16xf32>
        %select_n3A_444 = arith.select %or3A_428, %gather3A_443, %scan3A_80 : vector<16xi1>, vector<16xf32>
        scf.yield %select_n3A_432, %select_n3A_436, %select_n3A_440, %select_n3A_444 : vector<16xi32>, vector<16xi32>, vector<16xf32>, vector<16xf32>
      }
      %scan3A_58 = arith.constant 8 : i32
      %swap3A_59 = arith.index_cast %mul3A_49 : i32 to index
      %swap3A_60 = tpu.vector_load %arg13[%swap3A_59] {strides = array<i32>} : memref<64xi32, #tpu.memory_space<vmem>>, vector<16xi32>,
      %swap3A_61 = vector.shape_cast %swap3A_60 : vector<16xi32> to vector<16xi32>
      %swap3A_62 = vector.shape_cast %scan3A_57#0 : vector<16xi32> to vector<16xi32>
      tpu.vector_store %arg13[%swap3A_59], %swap3A_62 {strides = array<i32>} : memref<64xi32, #tpu.memory_space<vmem>>, vector<16xi32>,
      %swap3A_63 = arith.index_cast %mul3A_49 : i32 to index
      %swap3A_64 = tpu.vector_load %arg14[%swap3A_63] {strides = array<i32>} : memref<64xi32, #tpu.memory_space<vmem>>, vector<16xi32>,
      %swap3A_65 = vector.shape_cast %swap3A_64 : vector<16xi32> to vector<16xi32>
      %swap3A_66 = vector.shape_cast %scan3A_57#1 : vector<16xi32> to vector<16xi32>
      tpu.vector_store %arg14[%swap3A_63], %swap3A_66 {strides = array<i32>} : memref<64xi32, #tpu.memory_space<vmem>>, vector<16xi32>,
      %swap3A_67 = arith.index_cast %mul3A_49 : i32 to index
      %swap3A_68 = tpu.vector_load %arg15[%swap3A_67] {strides = array<i32>} : memref<64xf32, #tpu.memory_space<vmem>>, vector<16xf32>,
      %swap3A_69 = vector.shape_cast %swap3A_68 : vector<16xf32> to vector<16xf32>
      %swap3A_70 = vector.shape_cast %scan3A_57#2 : vector<16xf32> to vector<16xf32>
      tpu.vector_store %arg15[%swap3A_67], %swap3A_70 {strides = array<i32>} : memref<64xf32, #tpu.memory_space<vmem>>, vector<16xf32>,
      %swap3A_71 = arith.index_cast %mul3A_49 : i32 to index
      %swap3A_72 = tpu.vector_load %arg16[%swap3A_71] {strides = array<i32>} : memref<64xf32, #tpu.memory_space<vmem>>, vector<16xf32>,
      %swap3A_73 = vector.shape_cast %swap3A_72 : vector<16xf32> to vector<16xf32>
      %swap3A_74 = vector.shape_cast %scan3A_57#3 : vector<16xf32> to vector<16xf32>
      tpu.vector_store %arg16[%swap3A_71], %swap3A_74 {strides = array<i32>} : memref<64xf32, #tpu.memory_space<vmem>>, vector<16xf32>,
      %scan3A_75 = arith.constant 0 : i32
      scf.yield %scan3A_75 : i32
    }
    %scan3A_39 = arith.constant 4 : i32
    %mul3A_40 = arith.constant 64 : i32
    %mul3A_41 = arith.muli %add3A, %mul3A_40 : i32
    %mul3A_42 = arith.constant 64 : i32
    %mul3A_43 = arith.muli %add3A, %mul3A_42 : i32
    %mul3A_44 = arith.constant 8 : i32
    %mul3A_45 = arith.muli %mul3A_43, %mul3A_44 : i32
    "tpu.region"() ({
      %run_scoped3A = tpu.sem_alloc : memref<!tpu.dma_semaphore, #tpu.memory_space<semaphore_mem>>
      %dma_start3A = tpu.memref_slice %arg4[%mul3A_45] : memref<16384xf32, #tpu.memory_space<hbm>> -> memref<512xf32, #tpu.memory_space<hbm>>
      %dma_start3A_46 = tpu.memref_slice %arg4[%mul3A_45] : memref<16384xf32, #tpu.memory_space<hbm>> -> memref<512xf32, #tpu.memory_space<hbm>>
      tpu.enqueue_dma source(%arg12 : memref<512xf32, #tpu.memory_space<vmem>>) target(%dma_start3A_46 : memref<512xf32, #tpu.memory_space<hbm>>) target_semaphore(%run_scoped3A : memref<!tpu.dma_semaphore, #tpu.memory_space<semaphore_mem>>)
      %dma_wait3A = tpu.memref_slice %arg4[%mul3A_45] : memref<16384xf32, #tpu.memory_space<hbm>> -> memref<512xf32, #tpu.memory_space<hbm>>
      %dma_wait3A_47 = tpu.memref_slice %arg4[%mul3A_45] : memref<16384xf32, #tpu.memory_space<hbm>> -> memref<512xf32, #tpu.memory_space<hbm>>
      tpu.wait_dma2 semaphore(%run_scoped3A : memref<!tpu.dma_semaphore, #tpu.memory_space<semaphore_mem>>) src(%arg12 : memref<512xf32, #tpu.memory_space<vmem>>) dst(%dma_wait3A_47 : memref<512xf32, #tpu.memory_space<hbm>>)
      tpu.yield
    }) : () -> ()
    "tpu.region"() ({
      %run_scoped3A = tpu.sem_alloc : memref<!tpu.dma_semaphore, #tpu.memory_space<semaphore_mem>>
      %dma_start3A = tpu.memref_slice %arg5[%mul3A_41] : memref<2048xi32, #tpu.memory_space<hbm>> -> memref<64xi32, #tpu.memory_space<hbm>>
      %dma_start3A_46 = tpu.memref_slice %arg5[%mul3A_41] : memref<2048xi32, #tpu.memory_space<hbm>> -> memref<64xi32, #tpu.memory_space<hbm>>
      tpu.enqueue_dma source(%arg13 : memref<64xi32, #tpu.memory_space<vmem>>) target(%dma_start3A_46 : memref<64xi32, #tpu.memory_space<hbm>>) target_semaphore(%run_scoped3A : memref<!tpu.dma_semaphore, #tpu.memory_space<semaphore_mem>>)
      %dma_wait3A = tpu.memref_slice %arg5[%mul3A_41] : memref<2048xi32, #tpu.memory_space<hbm>> -> memref<64xi32, #tpu.memory_space<hbm>>
      %dma_wait3A_47 = tpu.memref_slice %arg5[%mul3A_41] : memref<2048xi32, #tpu.memory_space<hbm>> -> memref<64xi32, #tpu.memory_space<hbm>>
      tpu.wait_dma2 semaphore(%run_scoped3A : memref<!tpu.dma_semaphore, #tpu.memory_space<semaphore_mem>>) src(%arg13 : memref<64xi32, #tpu.memory_space<vmem>>) dst(%dma_wait3A_47 : memref<64xi32, #tpu.memory_space<hbm>>)
      tpu.yield
    }) : () -> ()
    "tpu.region"() ({
      %run_scoped3A = tpu.sem_alloc : memref<!tpu.dma_semaphore, #tpu.memory_space<semaphore_mem>>
      %dma_start3A = tpu.memref_slice %arg6[%mul3A_41] : memref<2048xi32, #tpu.memory_space<hbm>> -> memref<64xi32, #tpu.memory_space<hbm>>
      %dma_start3A_46 = tpu.memref_slice %arg6[%mul3A_41] : memref<2048xi32, #tpu.memory_space<hbm>> -> memref<64xi32, #tpu.memory_space<hbm>>
      tpu.enqueue_dma source(%arg14 : memref<64xi32, #tpu.memory_space<vmem>>) target(%dma_start3A_46 : memref<64xi32, #tpu.memory_space<hbm>>) target_semaphore(%run_scoped3A : memref<!tpu.dma_semaphore, #tpu.memory_space<semaphore_mem>>)
      %dma_wait3A = tpu.memref_slice %arg6[%mul3A_41] : memref<2048xi32, #tpu.memory_space<hbm>> -> memref<64xi32, #tpu.memory_space<hbm>>
      %dma_wait3A_47 = tpu.memref_slice %arg6[%mul3A_41] : memref<2048xi32, #tpu.memory_space<hbm>> -> memref<64xi32, #tpu.memory_space<hbm>>
      tpu.wait_dma2 semaphore(%run_scoped3A : memref<!tpu.dma_semaphore, #tpu.memory_space<semaphore_mem>>) src(%arg14 : memref<64xi32, #tpu.memory_space<vmem>>) dst(%dma_wait3A_47 : memref<64xi32, #tpu.memory_space<hbm>>)
      tpu.yield
    }) : () -> ()
    "tpu.region"() ({
      %run_scoped3A = tpu.sem_alloc : memref<!tpu.dma_semaphore, #tpu.memory_space<semaphore_mem>>
      %dma_start3A = tpu.memref_slice %arg7[%mul3A_41] : memref<2048xf32, #tpu.memory_space<hbm>> -> memref<64xf32, #tpu.memory_space<hbm>>
      %dma_start3A_46 = tpu.memref_slice %arg7[%mul3A_41] : memref<2048xf32, #tpu.memory_space<hbm>> -> memref<64xf32, #tpu.memory_space<hbm>>
      tpu.enqueue_dma source(%arg15 : memref<64xf32, #tpu.memory_space<vmem>>) target(%dma_start3A_46 : memref<64xf32, #tpu.memory_space<hbm>>) target_semaphore(%run_scoped3A : memref<!tpu.dma_semaphore, #tpu.memory_space<semaphore_mem>>)
      %dma_wait3A = tpu.memref_slice %arg7[%mul3A_41] : memref<2048xf32, #tpu.memory_space<hbm>> -> memref<64xf32, #tpu.memory_space<hbm>>
      %dma_wait3A_47 = tpu.memref_slice %arg7[%mul3A_41] : memref<2048xf32, #tpu.memory_space<hbm>> -> memref<64xf32, #tpu.memory_space<hbm>>
      tpu.wait_dma2 semaphore(%run_scoped3A : memref<!tpu.dma_semaphore, #tpu.memory_space<semaphore_mem>>) src(%arg15 : memref<64xf32, #tpu.memory_space<vmem>>) dst(%dma_wait3A_47 : memref<64xf32, #tpu.memory_space<hbm>>)
      tpu.yield
    }) : () -> ()
    "tpu.region"() ({
      %run_scoped3A = tpu.sem_alloc : memref<!tpu.dma_semaphore, #tpu.memory_space<semaphore_mem>>
      %dma_start3A = tpu.memref_slice %arg8[%mul3A_41] : memref<2048xf32, #tpu.memory_space<hbm>> -> memref<64xf32, #tpu.memory_space<hbm>>
      %dma_start3A_46 = tpu.memref_slice %arg8[%mul3A_41] : memref<2048xf32, #tpu.memory_space<hbm>> -> memref<64xf32, #tpu.memory_space<hbm>>
      tpu.enqueue_dma source(%arg16 : memref<64xf32, #tpu.memory_space<vmem>>) target(%dma_start3A_46 : memref<64xf32, #tpu.memory_space<hbm>>) target_semaphore(%run_scoped3A : memref<!tpu.dma_semaphore, #tpu.memory_space<semaphore_mem>>)
      %dma_wait3A = tpu.memref_slice %arg8[%mul3A_41] : memref<2048xf32, #tpu.memory_space<hbm>> -> memref<64xf32, #tpu.memory_space<hbm>>
      %dma_wait3A_47 = tpu.memref_slice %arg8[%mul3A_41] : memref<2048xf32, #tpu.memory_space<hbm>> -> memref<64xf32, #tpu.memory_space<hbm>>
      tpu.wait_dma2 semaphore(%run_scoped3A : memref<!tpu.dma_semaphore, #tpu.memory_space<semaphore_mem>>) src(%arg16 : memref<64xf32, #tpu.memory_space<vmem>>) dst(%dma_wait3A_47 : memref<64xf32, #tpu.memory_space<hbm>>)
      tpu.yield
    }) : () -> ()
    "tpu.region"() ({
      %run_scoped3A = tpu.sem_alloc : memref<!tpu.dma_semaphore, #tpu.memory_space<semaphore_mem>>
      %dma_start3A = arith.constant 0 : i32
      %dma_start3A_46 = arith.constant 0 : i32
      %dma_start3A_47 = tpu.memref_slice %arg9[%add3A, %dma_start3A, %dma_start3A_46] : memref<32x2x16xf32, #tpu.memory_space<hbm>> -> memref<1x2x16xf32, #tpu.memory_space<hbm>>
      %dma_start3A_48 = tpu.memref_squeeze %dma_start3A_47 : memref<1x2x16xf32, #tpu.memory_space<hbm>> -> memref<2x16xf32, #tpu.memory_space<hbm>>
      %dma_start3A_49 = arith.constant 0 : i32
      %dma_start3A_50 = arith.constant 0 : i32
      %dma_start3A_51 = tpu.memref_slice %arg9[%add3A, %dma_start3A_49, %dma_start3A_50] : memref<32x2x16xf32, #tpu.memory_space<hbm>> -> memref<1x2x16xf32, #tpu.memory_space<hbm>>
      %dma_start3A_52 = tpu.memref_squeeze %dma_start3A_51 : memref<1x2x16xf32, #tpu.memory_space<hbm>> -> memref<2x16xf32, #tpu.memory_space<hbm>>
      tpu.enqueue_dma source(%arg17 : memref<2x16xf32, #tpu.memory_space<vmem>>) target(%dma_start3A_52 : memref<2x16xf32, #tpu.memory_space<hbm>>) target_semaphore(%run_scoped3A : memref<!tpu.dma_semaphore, #tpu.memory_space<semaphore_mem>>)
      %dma_wait3A = arith.constant 0 : i32
      %dma_wait3A_53 = arith.constant 0 : i32
      %dma_wait3A_54 = tpu.memref_slice %arg9[%add3A, %dma_wait3A, %dma_wait3A_53] : memref<32x2x16xf32, #tpu.memory_space<hbm>> -> memref<1x2x16xf32, #tpu.memory_space<hbm>>
      %dma_wait3A_55 = tpu.memref_squeeze %dma_wait3A_54 : memref<1x2x16xf32, #tpu.memory_space<hbm>> -> memref<2x16xf32, #tpu.memory_space<hbm>>
      %dma_wait3A_56 = arith.constant 0 : i32
      %dma_wait3A_57 = arith.constant 0 : i32
      %dma_wait3A_58 = tpu.memref_slice %arg9[%add3A, %dma_wait3A_56, %dma_wait3A_57] : memref<32x2x16xf32, #tpu.memory_space<hbm>> -> memref<1x2x16xf32, #tpu.memory_space<hbm>>
      %dma_wait3A_59 = tpu.memref_squeeze %dma_wait3A_58 : memref<1x2x16xf32, #tpu.memory_space<hbm>> -> memref<2x16xf32, #tpu.memory_space<hbm>>
      tpu.wait_dma2 semaphore(%run_scoped3A : memref<!tpu.dma_semaphore, #tpu.memory_space<semaphore_mem>>) src(%arg17 : memref<2x16xf32, #tpu.memory_space<vmem>>) dst(%dma_wait3A_59 : memref<2x16xf32, #tpu.memory_space<hbm>>)
      tpu.yield
    }) : () -> ()
    return
  }
}

module attributes {stable_mosaic.version = 14 : i64} {
  func.func @_lambda_(%arg0: i32, %arg1: memref<768x8xf32, #tpu.memory_space<vmem>>, %arg2: memref<4096x768xf32, #tpu.memory_space<vmem>>, %arg3: memref<8x4096xf32, #tpu.memory_space<vmem>>, %arg4: memref<2x4096xi32, #tpu.memory_space<vmem>>, %arg5: memref<2x4096xf32, #tpu.memory_space<vmem>>, %arg6: memref<1x8x2xf32, #tpu.memory_space<vmem>>) attributes {dimension_semantics = [#tpu.dimension_semantics<parallel>], iteration_bounds = array<i64: 8>, scalar_prefetch = 0 : i64, scratch_operands = 0 : i64, tpu.core_type = #tpu.core_type<tc>, window_params = [{pipeline_mode = #tpu.pipeline_mode<synchronous>, transform_indices = @transform_0, window_bounds = array<i64: 768, 8>}, {transform_indices = @transform_1, window_bounds = array<i64: 4096, 768>}, {transform_indices = @transform_2, window_bounds = array<i64: 8, 4096>}, {transform_indices = @transform_3, window_bounds = array<i64: 2, 4096>}, {transform_indices = @transform_4, window_bounds = array<i64: 2, 4096>}, {transform_indices = @transform_5, window_bounds = array<i64: 1, 8, 2>}]} {
    %get3A = arith.constant 0 : index
    %get3A_0 = arith.constant 0 : index
    %get3A_1 = vector.load %arg1[%get3A, %get3A_0] : memref<768x8xf32, #tpu.memory_space<vmem>>, vector<768x8xf32>
    %get3A_2 = arith.constant 0 : index
    %get3A_3 = arith.constant 0 : index
    %get3A_4 = vector.load %arg2[%get3A_2, %get3A_3] : memref<4096x768xf32, #tpu.memory_space<vmem>>, vector<4096x768xf32>
    %dot_general3A = arith.constant dense<0.000000e+00> : vector<4096x8xf32>
    %dot_general3A_5 = tpu.matmul %get3A_4, %get3A_1, %dot_general3A {dimension_numbers = #tpu.dot_dimension_numbers<[1], [0], [0], [1], [0, 0, 1, 1], [], []>, transpose_lhs_hint = false} : vector<4096x768xf32>, vector<768x8xf32>, vector<4096x8xf32> -> vector<4096x8xf32>
    %transpose3A = tpu.transpose %dot_general3A_5, [1, 0] : vector<4096x8xf32> -> vector<8x4096xf32>
    %swap3A = arith.constant 0 : index
    %swap3A_6 = arith.constant 0 : index
    %swap3A_7 = vector.load %arg3[%swap3A, %swap3A_6] : memref<8x4096xf32, #tpu.memory_space<vmem>>, vector<8x4096xf32>
    tpu.vector_store %arg3[%swap3A, %swap3A_6], %transpose3A {strides = array<i32>} : memref<8x4096xf32, #tpu.memory_space<vmem>>, vector<8x4096xf32>,
    %iota3A = tpu.iota {dimensions = array<i32: 0>} : vector<8x4096xi32>
    %reduce_max3A = arith.constant dense<0xFF800000> : vector<4096xf32>
    %reduce_max3A_8 = vector.multi_reduction <maximumf>, %transpose3A, %reduce_max3A [0] : vector<8x4096xf32> to vector<4096xf32>
    %broadcast_in_dim3A = vector.shape_cast %reduce_max3A_8 : vector<4096xf32> to vector<1x4096xf32>
    %eq3A = vector.broadcast %broadcast_in_dim3A : vector<1x4096xf32> to vector<8x4096xf32>
    %eq3A_9 = arith.cmpf oeq, %transpose3A, %eq3A : vector<8x4096xf32>
    %jit3A = arith.constant 8 : i32
    %broadcast_in_dim3A_10 = vector.broadcast %jit3A : i32 to vector<8x4096xi32>
    %select_n3A = arith.select %eq3A_9, %iota3A, %broadcast_in_dim3A_10 : vector<8x4096xi1>, vector<8x4096xi32>
    %reduce_min3A = arith.constant dense<2147483647> : vector<4096xi32>
    %reduce_min3A_11 = vector.multi_reduction <minsi>, %select_n3A, %reduce_min3A [0] : vector<8x4096xi32> to vector<4096xi32>
    %broadcast_in_dim3A_12 = vector.shape_cast %reduce_min3A_11 : vector<4096xi32> to vector<1x4096xi32>
    %eq3A_13 = vector.broadcast %broadcast_in_dim3A_12 : vector<1x4096xi32> to vector<8x4096xi32>
    %eq3A_14 = arith.cmpi eq, %iota3A, %eq3A_13 : vector<8x4096xi32>
    %jit3A_15 = arith.constant 0xFF800000 : f32
    %broadcast_in_dim3A_16 = vector.broadcast %jit3A_15 : f32 to vector<8x4096xf32>
    %select_n3A_17 = arith.select %eq3A_14, %broadcast_in_dim3A_16, %transpose3A : vector<8x4096xi1>, vector<8x4096xf32>
    %reduce_max3A_18 = arith.constant dense<0xFF800000> : vector<4096xf32>
    %reduce_max3A_19 = vector.multi_reduction <maximumf>, %select_n3A_17, %reduce_max3A_18 [0] : vector<8x4096xf32> to vector<4096xf32>
    %broadcast_in_dim3A_20 = vector.shape_cast %reduce_max3A_19 : vector<4096xf32> to vector<1x4096xf32>
    %eq3A_21 = vector.broadcast %broadcast_in_dim3A_20 : vector<1x4096xf32> to vector<8x4096xf32>
    %eq3A_22 = arith.cmpf oeq, %select_n3A_17, %eq3A_21 : vector<8x4096xf32>
    %jit3A_23 = arith.constant 8 : i32
    %broadcast_in_dim3A_24 = vector.broadcast %jit3A_23 : i32 to vector<8x4096xi32>
    %select_n3A_25 = arith.select %eq3A_22, %iota3A, %broadcast_in_dim3A_24 : vector<8x4096xi1>, vector<8x4096xi32>
    %reduce_min3A_26 = arith.constant dense<2147483647> : vector<4096xi32>
    %reduce_min3A_27 = vector.multi_reduction <minsi>, %select_n3A_25, %reduce_min3A_26 [0] : vector<8x4096xi32> to vector<4096xi32>
    %broadcast_in_dim3A_28 = vector.shape_cast %reduce_min3A_27 : vector<4096xi32> to vector<1x4096xi32>
    %sub3A = arith.subf %broadcast_in_dim3A_20, %broadcast_in_dim3A : vector<1x4096xf32>
    %exp3A = math.exp %sub3A : vector<1x4096xf32>
    %add3A = arith.constant 1.000000e+00 : f32
    %add3A_29 = vector.broadcast %add3A : f32 to vector<1x4096xf32>
    %add3A_30 = arith.addf %add3A_29, %exp3A : vector<1x4096xf32>
    %concatenate3A = tpu.concatenate %broadcast_in_dim3A_12, %broadcast_in_dim3A_28 in 0 : vector<1x4096xi32>, vector<1x4096xi32> -> vector<2x4096xi32>
    %swap3A_31 = arith.constant 0 : index
    %swap3A_32 = arith.constant 0 : index
    %swap3A_33 = vector.load %arg4[%swap3A_31, %swap3A_32] : memref<2x4096xi32, #tpu.memory_space<vmem>>, vector<2x4096xi32>
    tpu.vector_store %arg4[%swap3A_31, %swap3A_32], %concatenate3A {strides = array<i32>} : memref<2x4096xi32, #tpu.memory_space<vmem>>, vector<2x4096xi32>,
    %div3A = arith.constant 1.000000e+00 : f32
    %div3A_34 = vector.broadcast %div3A : f32 to vector<1x4096xf32>
    %div3A_35 = arith.divf %div3A_34, %add3A_30 : vector<1x4096xf32>
    %div3A_36 = arith.divf %exp3A, %add3A_30 : vector<1x4096xf32>
    %concatenate3A_37 = tpu.concatenate %div3A_35, %div3A_36 in 0 : vector<1x4096xf32>, vector<1x4096xf32> -> vector<2x4096xf32>
    %swap3A_38 = arith.constant 0 : index
    %swap3A_39 = arith.constant 0 : index
    %swap3A_40 = vector.load %arg5[%swap3A_38, %swap3A_39] : memref<2x4096xf32, #tpu.memory_space<vmem>>, vector<2x4096xf32>
    tpu.vector_store %arg5[%swap3A_38, %swap3A_39], %concatenate3A_37 {strides = array<i32>} : memref<2x4096xf32, #tpu.memory_space<vmem>>, vector<2x4096xf32>,
    %mul3A = arith.constant 4096 : i32
    %mul3A_41 = arith.muli %arg0, %mul3A : i32
    %iota3A_42 = tpu.iota {dimensions = array<i32: 1>} : vector<8x4096xi32>
    %add3A_43 = vector.broadcast %mul3A_41 : i32 to vector<8x4096xi32>
    %add3A_44 = arith.addi %add3A_43, %iota3A_42 : vector<8x4096xi32>
    %lt3A = arith.constant 30720 : i32
    %lt3A_45 = vector.broadcast %lt3A : i32 to vector<8x4096xi32>
    %lt3A_46 = arith.cmpi slt, %add3A_44, %lt3A_45 : vector<8x4096xi32>
    %sub3A_47 = vector.broadcast %broadcast_in_dim3A : vector<1x4096xf32> to vector<8x4096xf32>
    %sub3A_48 = arith.subf %transpose3A, %sub3A_47 : vector<8x4096xf32>
    %exp3A_49 = math.exp %sub3A_48 : vector<8x4096xf32>
    %reduce_sum3A = arith.constant dense<0.000000e+00> : vector<4096xf32>
    %reduce_sum3A_50 = vector.multi_reduction <add>, %exp3A_49, %reduce_sum3A [0] : vector<8x4096xf32> to vector<4096xf32>
    %broadcast_in_dim3A_51 = vector.shape_cast %reduce_sum3A_50 : vector<4096xf32> to vector<1x4096xf32>
    %div3A_52 = vector.broadcast %broadcast_in_dim3A_51 : vector<1x4096xf32> to vector<8x4096xf32>
    %div3A_53 = arith.divf %exp3A_49, %div3A_52 : vector<8x4096xf32>
    %jit3A_54 = arith.constant 0.000000e+00 : f32
    %broadcast_in_dim3A_55 = vector.broadcast %jit3A_54 : f32 to vector<8x4096xf32>
    %select_n3A_56 = arith.select %lt3A_46, %div3A_53, %broadcast_in_dim3A_55 : vector<8x4096xi1>, vector<8x4096xf32>
    %reduce_sum3A_57 = arith.constant dense<0.000000e+00> : vector<8xf32>
    %reduce_sum3A_58 = vector.multi_reduction <add>, %select_n3A_56, %reduce_sum3A_57 [1] : vector<8x4096xf32> to vector<8xf32>
    %broadcast_in_dim3A_59 = vector.shape_cast %reduce_sum3A_58 : vector<8xf32> to vector<8x1xf32>
    %jit3A_60 = arith.constant 1.000000e+00 : f32
    %jit3A_61 = arith.constant 0.000000e+00 : f32
    %broadcast_in_dim3A_62 = vector.broadcast %jit3A_60 : f32 to vector<8x4096xf32>
    %broadcast_in_dim3A_63 = vector.broadcast %jit3A_61 : f32 to vector<8x4096xf32>
    %select_n3A_64 = arith.select %lt3A_46, %broadcast_in_dim3A_62, %broadcast_in_dim3A_63 : vector<8x4096xi1>, vector<8x4096xf32>
    %eq3A_65 = vector.broadcast %broadcast_in_dim3A_12 : vector<1x4096xi32> to vector<8x4096xi32>
    %eq3A_66 = arith.cmpi eq, %iota3A, %eq3A_65 : vector<8x4096xi32>
    %jit3A_67 = arith.constant 0.000000e+00 : f32
    %broadcast_in_dim3A_68 = vector.broadcast %jit3A_67 : f32 to vector<8x4096xf32>
    %select_n3A_69 = arith.select %eq3A_66, %select_n3A_64, %broadcast_in_dim3A_68 : vector<8x4096xi1>, vector<8x4096xf32>
    %reduce_sum3A_70 = arith.constant dense<0.000000e+00> : vector<8xf32>
    %reduce_sum3A_71 = vector.multi_reduction <add>, %select_n3A_69, %reduce_sum3A_70 [1] : vector<8x4096xf32> to vector<8xf32>
    %broadcast_in_dim3A_72 = vector.shape_cast %reduce_sum3A_71 : vector<8xf32> to vector<8x1xf32>
    %eq3A_73 = vector.broadcast %broadcast_in_dim3A_28 : vector<1x4096xi32> to vector<8x4096xi32>
    %eq3A_74 = arith.cmpi eq, %iota3A, %eq3A_73 : vector<8x4096xi32>
    %jit3A_75 = arith.constant 0.000000e+00 : f32
    %broadcast_in_dim3A_76 = vector.broadcast %jit3A_75 : f32 to vector<8x4096xf32>
    %select_n3A_77 = arith.select %eq3A_74, %select_n3A_64, %broadcast_in_dim3A_76 : vector<8x4096xi1>, vector<8x4096xf32>
    %reduce_sum3A_78 = arith.constant dense<0.000000e+00> : vector<8xf32>
    %reduce_sum3A_79 = vector.multi_reduction <add>, %select_n3A_77, %reduce_sum3A_78 [1] : vector<8x4096xf32> to vector<8xf32>
    %broadcast_in_dim3A_80 = vector.shape_cast %reduce_sum3A_79 : vector<8xf32> to vector<8x1xf32>
    %add3A_81 = arith.addf %broadcast_in_dim3A_72, %broadcast_in_dim3A_80 : vector<8x1xf32>
    %concatenate3A_82 = tpu.concatenate %add3A_81, %broadcast_in_dim3A_59 in 1 : vector<8x1xf32>, vector<8x1xf32> -> vector<8x2xf32>
    %broadcast_in_dim3A_83 = vector.shape_cast %concatenate3A_82 : vector<8x2xf32> to vector<1x8x2xf32>
    %swap3A_84 = arith.constant 0 : index
    %swap3A_85 = arith.constant 0 : index
    %swap3A_86 = arith.constant 0 : index
    %swap3A_87 = vector.load %arg6[%swap3A_84, %swap3A_85, %swap3A_86] : memref<1x8x2xf32, #tpu.memory_space<vmem>>, vector<1x8x2xf32>
    tpu.vector_store %arg6[%swap3A_84, %swap3A_85, %swap3A_86], %broadcast_in_dim3A_83 {strides = array<i32>} : memref<1x8x2xf32, #tpu.memory_space<vmem>>, vector<1x8x2xf32>,
    return
  }
  func.func @transform_0(%arg0: i32) -> (i32, i32) {
    %c0_i32 = arith.constant 0 : i32
    %c0_i32_0 = arith.constant 0 : i32
    %c0_i32_1 = arith.constant 0 : i32
    return %c0_i32, %c0_i32_0 : i32, i32
  }
  func.func @transform_1(%arg0: i32) -> (i32, i32) {
    %c0_i32 = arith.constant 0 : i32
    %c0_i32_0 = arith.constant 0 : i32
    return %arg0, %c0_i32 : i32, i32
  }
  func.func @transform_2(%arg0: i32) -> (i32, i32) {
    %c0_i32 = arith.constant 0 : i32
    %c0_i32_0 = arith.constant 0 : i32
    return %c0_i32, %arg0 : i32, i32
  }
  func.func @transform_3(%arg0: i32) -> (i32, i32) {
    %c0_i32 = arith.constant 0 : i32
    %c0_i32_0 = arith.constant 0 : i32
    return %c0_i32, %arg0 : i32, i32
  }
  func.func @transform_4(%arg0: i32) -> (i32, i32) {
    %c0_i32 = arith.constant 0 : i32
    %c0_i32_0 = arith.constant 0 : i32
    return %c0_i32, %arg0 : i32, i32
  }
  func.func @transform_5(%arg0: i32) -> (i32, i32, i32) {
    %c0_i32 = arith.constant 0 : i32
    %c0_i32_0 = arith.constant 0 : i32
    %c0_i32_1 = arith.constant 0 : i32
    return %arg0, %c0_i32, %c0_i32_0 : i32, i32, i32
  }
}

</mosaic_0001>

<sc_bundles>
// kernel: kernel.4.cloned.1.call-start
scs
__scs_entry_jumppad:
0x0: {  	(pc) =	sbr.rel $0x88, $3  }
0x1: {  	(tag) =	ssettag $0x0;
	lr =	simm.s32 $0x1  }
0x2: {  	[smem:$0x3F9F] =	sst lr;
	_ =	strace $0xD0000000  }
0x3: {  	_ = 	snop  }
0x4: {  	_ = 	snop  }
0x5: {  	_ = 	snop  }
0x6: {  	_ = 	snop  }
0x7: {  	_ = 	snop  }
__scs_overlays_trampoline_lowered:
0x8: {  	[smem:$0x3FAE] =	sst s0  }
0x9: {  	[smem:$0x3FAF] =	sst s1  }
0xa: {  	[smem:$0x3FB0] =	sst s2  }
0xb: {  	[smem:$0x3FB1] =	sst s3  }
0xc: {  	[smem:$0x3FB2] =	sst s4  }
0xd: {  	[smem:$0x3FB3] =	sst s5  }
0xe: {  	[smem:$0x3FB4] =	sst s6  }
0xf: {  	[smem:$0x3FB5] =	sst s7  }
0x10: {  	[smem:$0x3FB6] =	sst s8  }
0x11: {  	[smem:$0x3FB7] =	sst s9;
	s0 =	simm.s32 @!p0 $0x0  }
0x12: {  	s1 =	sld [smem:$0x3F9D];
	s0 =	simm.s32 @p0 $0x1  }
0x13: {  	[smem:$0x3FB8] =	sst s0;
	s0 =	simm.s32 @!p1 $0x0  }
0x14: {  	s2 =	sld [smem:$0x3F9C];
	s0 =	simm.s32 @p1 $0x1  }
0x15: {  	[smem:$0x3FB9] =	sst s0;
	s0 =	simm.s32 @!p2 $0x0  }
0x16: {  	s3 =	sld [smem:$0x3FDB];
	s0 =	simm.s32 @p2 $0x1  }
0x17: {  	s4 =	simm.s32 $0x1BF5;
	[smem:$0x3FBB] =	sst s0  }
0x18: {  	s0 =	sld [smem:$0x3F9E];
	_ =	swait.ge [sflag:s4], $0x0  }
0x19: {  	s7 =	sld [smem:$0x3F9F]  }
0x1a: {  	s8 =	sadd.s32 $0xFFFFE003, lr  }
0x1b: {  	s9 =	sadd.s32 $0xFFFFFEF7, lr;
	s5 =	simm.s32 $0xFFFFFFFF;
	p2 =	slt.u32 s8, $0xFFFFF086  }
0x1c: {  	p1 =	slt.u32 s9, $0xF7A;
	s5 =	simm.s32 @!p2 $0x0  }
0x1d: {  	s5 =	simm.s32 @p1 $0x1;
	p0 =	seq.s32 s7, s2  }
0x1e: {  	s7 =	smul.u32 @!p0 $0xF7A, s2;
	p2 =	seq.s32 @!p0 s5, $0x0  }
0x1f: {  	s9 =	smul.u32 $0xF7A, s1;
	s8 =	simm.s32 @!p0 $0x1BF5;
	p2 =	por !p2, p0  }
0x20: {  	[sflag:s8] =	ssyncset.s32 @!p0 $0xFFFFF086;
	s6 =	sadd.s32 @!p0 s3, s7;
	s7 =	simm.s32 @!p0 $0x108  }
0x21: {  	s3 =	sadd.s32 s3, s9;
	s6 =	sadd.s32 @!p0 $0x88, s6;
	s7 =	simm.s32 @p2 $0x1082  }
0x22: {  	[simem:s7], [sflag:s8] =	dma.local @!p0 [hbm:s6], $0xF7A  }
0x23: {  	s9 =	sor.u32 $0xD0000000, s2;
	s6 =	simm.s32 $0x108;
	_ =	swait.ge @!p0 [sflag:s8], $0x0  }
0x24: {  	s3 =	sadd.s32 $0x88, s3;
	s6 =	simm.s32 @!p1 $0x1082;
	[sflag:s4] =	ssyncset.s32 $0xFFFFF086  }
0x25: {  	[simem:s6], [sflag:s4] =	dma.local [hbm:s3], $0xF7A  }
0x26: {  	[smem:$0x3F9F] =	sst s1;
	(tag) =	ssettag s2;
	_ =	strace s9  }
0x27: {  	s1 =	sld [smem:$0x3FAF]  }
0x28: {  	s2 =	sld [smem:$0x3FB0]  }
0x29: {  	s4 =	sld [smem:$0x3FB2]  }
0x2a: {  	p0 =	seq.s32 s5, $0x0;
	s5 =	sld [smem:$0x3FB3]  }
0x2b: {  	s6 =	sld [smem:$0x3FB4]  }
0x2c: {  	s7 =	sld [smem:$0x3FB5]  }
0x2d: {  	s3 =	simm.s32 $0x108;
	s8 =	sld [smem:$0x3FB6]  }
0x2e: {  	s3 =	simm.s32 @!p0 $0x1082;
	s9 =	sld [smem:$0x3FB7]  }
0x2f: {  	lr =	sadd.s32 s0, s3;
	s0 =	sld [smem:$0x3FAE]  }
0x30: {  	s3 =	sld [smem:$0x3FB1]  }
0x31: {  	[smem:$0x3FBA] =	sst s10  }
0x32: {  	s10 =	sld [smem:$0x3FB8];
	_ =	sdelay $0x3  }
0x33: {  	p0 =	seq.s32 s10, $0x1;
	s10 =	sld [smem:$0x3FBA];
	_ =	sdelay $0x3  }
0x34: {  	[smem:$0x3FBA] =	sst s10  }
0x35: {  	s10 =	sld [smem:$0x3FB9];
	_ =	sdelay $0x3  }
0x36: {  	p1 =	seq.s32 s10, $0x1;
	s10 =	sld [smem:$0x3FBA];
	_ =	sdelay $0x3  }
0x37: {  	[smem:$0x3FBA] =	sst s10  }
0x38: {  	s10 =	sld [smem:$0x3FBB]  }
0x39: {  	_ = 	snop;
	(pc) =	sbr.ind lr, $3  }
0x3a: {  	_ = 	snop  }
0x3b: {  	_ = 	snop  }
0x3c: {  	p2 =	seq.s32 s10, $0x1;
	s10 =	sld [smem:$0x3FBA]  }
0x3d: {  	_ =	shalt  }
0x3e: {  	_ =	shalt  }
0x3f: {  	_ =	shalt  }
0x40: {  	_ =	shalt  }
0x41: {  	_ =	shalt  }
0x42: {  	_ =	shalt  }
0x43: {  	_ =	shalt  }
0x44: {  	_ =	shalt  }
0x45: {  	_ =	shalt  }
0x46: {  	_ =	shalt  }
0x47: {  	_ =	shalt  }
0x48: {  	_ =	shalt  }
0x49: {  	_ =	shalt  }
0x4a: {  	_ =	shalt  }
0x4b: {  	_ =	shalt  }
0x4c: {  	_ =	shalt  }
0x4d: {  	_ =	shalt  }
0x4e: {  	_ =	shalt  }
0x4f: {  	_ =	shalt  }
0x50: {  	_ =	shalt  }
0x51: {  	_ =	shalt  }
0x52: {  	_ =	shalt  }
0x53: {  	_ =	shalt  }
0x54: {  	_ =	shalt  }
0x55: {  	_ =	shalt  }
0x56: {  	_ =	shalt  }
0x57: {  	_ =	shalt  }
0x58: {  	_ =	shalt  }
0x59: {  	_ =	shalt  }
0x5a: {  	_ =	shalt  }
0x5b: {  	_ =	shalt  }
0x5c: {  	_ =	shalt  }
0x5d: {  	_ =	shalt  }
0x5e: {  	_ =	shalt  }
0x5f: {  	_ =	shalt  }
0x60: {  	_ =	shalt  }
0x61: {  	_ =	shalt  }
0x62: {  	_ =	shalt  }
0x63: {  	_ =	shalt  }
0x64: {  	_ =	shalt  }
0x65: {  	_ =	shalt  }
0x66: {  	_ =	shalt  }
0x67: {  	_ =	shalt  }
0x68: {  	_ =	shalt  }
0x69: {  	_ =	shalt  }
0x6a: {  	_ =	shalt  }
0x6b: {  	_ =	shalt  }
0x6c: {  	_ =	shalt  }
0x6d: {  	_ =	shalt  }
0x6e: {  	_ =	shalt  }
0x6f: {  	_ =	shalt  }
0x70: {  	_ =	shalt  }
0x71: {  	_ =	shalt  }
0x72: {  	_ =	shalt  }
0x73: {  	_ =	shalt  }
0x74: {  	_ =	shalt  }
0x75: {  	_ =	shalt  }
0x76: {  	_ =	shalt  }
0x77: {  	_ =	shalt  }
0x78: {  	_ =	shalt  }
0x79: {  	_ =	shalt  }
0x7a: {  	_ =	shalt  }
0x7b: {  	_ =	shalt  }
0x7c: {  	_ =	shalt  }
0x7d: {  	_ =	shalt  }
0x7e: {  	_ =	shalt  }
0x7f: {  	_ =	shalt  }
0x80: {  	_ =	shalt  }
0x81: {  	_ =	shalt  }
0x82: {  	_ =	shalt  }
0x83: {  	_ =	shalt  }
0x84: {  	_ =	shalt  }
0x85: {  	_ =	shalt  }
0x86: {  	_ =	shalt  }
0x87: {  	_ =	shalt  }
.Lfunc_end0:
.L_simem_size_0:
called_computation_lowered:
.L_overlay_start_0:
0x88: {  	s2 =	sld [smem:$0x3FD9]  }
0x89: {  	s3 =	sld [smem:$0x3FFE];
	_ =	sdelay $0x1  }
0x8a: {  	s1 =	srdreg.scid  }
0x8b: {  	s0 =	sand.u32 $0x1, s1  }
0x8c: {  	s14 =	sshll.u32 s0, $0xA;
	s2 =	sadd.s32 s3, s2  }
0x8d: {  	s2 =	sadd.s32 s2, s14  }
0x8e: {  	[smem:$0x3FC6] =	sst s2  }
0x8f: {  	_ = 	snop  }
0x90: {  	s2 =	sld [smem:$0x3FD0];
	_ =	sdelay $0x1  }
0x91: {  	s15 =	sld [smem:$0x3FC9]  }
0x92: {  	s5 =	simm.s32 $0xA;
	s6 =	simm.s32 $0x10;
	s4 =	sld [smem:$0x3FC8]  }
0x93: {  	[smem:s6], [sflag:s5] =	dma.local [hbm:s2], $0x1  }
0x94: {  	_ =	swait.eq [sflag:s5], $0x1  }
0x95: {  	[sflag:s5] =	ssyncset.done $0x0  }
0x96: {  	s16 =	sld [smem:$0x10];
	[sflag:s5] =	ssyncadd.s32 $0xFFFFFFFF  }
0x97: {  	s17 =	sld [smem:$0x11];
	(tm) =	ssettm $0x1  }
0x98: {  	s18 =	sld [smem:$0x3FFB];
	_ =	sdelay $0x3  }
0x99: {  	_ =	strace s18  }
0x9a: {  	s6 =	sld [smem:$0x3FFC];
	_ =	sdelay $0x3  }
0x9b: {  	_ =	strace s6  }
0x9c: {  	s6 =	sld [smem:$0x3FFD];
	_ =	sdelay $0x3  }
0x9d: {  	_ =	strace s6  }
0x9e: {  	_ =	strace $0x8FFFFFFF  }
0x9f: {  	s19 =	sld [smem:$0x3FDB];
	_ =	sdelay $0x1  }
0xa0: {  	s7 =	simm.s32 $_scs_section_size  }
0xa1: {  	s8 =	simm.s32 $_size__tile_overlayer_lowered;
	s9 =	simm.s32 $_tile_overlayer_lowered  }
0xa2: {  	s22 =	simm.s32 $0x1BFF;
	s21 =	sshll.u32 s9, $0x1;
	s6 =	sadd.s32 s7, s19  }
0xa3: {  	s10 =	simm.s32 $0x0;
	s20 =	sshll.u32 s8, $0x1;
	s8 =	sadd.s32 s21, s6  }
0xa4: {  	[timem:s10], [sflag:s22] =	dma.local [hbm:s8], s20  }
0xa5: {  	_ =	swait.ge [sflag:s22], s20  }
0xa6: {  	s7 =	ssub.s32 $0x0, s20;
	[sflag:s22] =	ssyncset.done $0x0  }
0xa7: {  	[sflag:s22] =	ssyncadd.s32 s7;
	_ =	sdelay $0x1  }
0xa8: {  	s23 =	simm.s32 $0x1B8B  }
0xa9: {  	_ =	swait.ge [sflag:s23], $0x1  }
0xaa: {  	[sflag:s23] =	ssyncset.done $0x0  }
0xab: {  	s25 =	simm.s32 $0x1B8E;
	s24 =	sld [smem:$0x3FFE];
	[sflag:s23] =	ssyncadd.s32 $0xFFFFFFFF  }
0xac: {  	s26 =	simm.s32 $execute0_lowered;
	[smem:$0x3FD2] =	sst s25  }
0xad: {  	s8 =	sshll.u32 s26, $0x1;
	_ =	strace $0x80000046;
	[dreg:$0x1] =	wrdreg $0xFFFFFFFF  }
0xae: {  	s28 =	simm.s32 $_size_execute0_lowered;
	s6 =	sadd.s32 s6, s8;
	[dreg:$0x0] =	wrdreg $0x0  }
0xaf: {  	s8 =	sshll.u32 s28, $0x1;
	[dreg:$0x2] =	wrdreg s6  }
0xb0: {  	[dreg:$0x3] =	wrdreg s8  }
0xb1: {  	[dreg:$0x4] =	wrdreg $0xC0  }
0xb2: {  	_ =	task [dreg:s10], $0x5FFFF  }
0xb3: {  	[dreg:$0x1] =	wrdreg $0xFFFFFFFF  }
0xb4: {  	[dreg:$0x0] =	wrdreg $0x60  }
0xb5: {  	[dreg:$0x2] =	wrdreg s15  }
0xb6: {  	[dreg:$0x3] =	wrdreg s4  }
0xb7: {  	[dreg:$0x4] =	wrdreg s17  }
0xb8: {  	[dreg:$0x5] =	wrdreg s24  }
0xb9: {  	[dreg:$0x6] =	wrdreg s16  }
0xba: {  	[dreg:$0x7] =	wrdreg $0x9  }
0xbb: {  	_ =	task.clear_ibuf [dreg:s10], $0x8FFFF;
	_ =	strace $0x90000046  }
0xbc: {  	s29 =	simm.s32 $0x9;
	_ =	strace $0x80000048  }
0xbd: {  	_ =	swait.ge [sflag:s29], $0x1  }
0xbe: {  	[sflag:s29] =	ssyncadd.s32 $0xFFFFFFFF  }
0xbf: {  	_ =	strace $0x90000048  }
0xc0: {  	_ =	sfence  }
0xc1: {  	s30 =	sld [smem:$0x0];
	_ =	sdelay $0x2  }
0xc2: {  	s31 =	sshll.u32 s1, $0xD;
	s1 =	sshrl.u32 s1, $0x2  }
0xc3: {  	s3 =	sand.u32 $0x4000, s31;
	s1 =	sadd.s32 s1, s30  }
0xc4: {  	s0 =	sor.u32 s3, s0;
	s1 =	sshll.u32 s1, $0x11  }
0xc5: {  	s0 =	sor.u32 s1, s0  }
0xc6: {  	s0 =	sadd.s32 $0x8F2B, s0  }
0xc7: {  	[sflag:s0] =	ssyncadd.remote.s32 $0x1  }
0xc8: {  	_ =	sfence.sel $0xFFFF  }
0xc9: {  	[dreg:$0x0] =	wrdreg $0xFFFFFFFF;
	(pc) =	sbr.abs _section_cstart, $3  }
0xca: {  	[dreg:$0x1] =	wrdreg $0xFFFFFFFF  }
0xcb: {  	_ =	task.clear_ibuf [dreg:s10], $0x2FFFF;
	_ =	strace $0x9FFFFFFF  }
0xcc: {  	(tm) =	ssettm $0x7FFFFFFF  }
0xcd: {  	_ =	shalt  }
tec
execute0_lowered:
.L_overlay_start_1:
0x0: {  	(tag) =	ssettag $0x1  }
0x1: {  	vm0 =	vcmask $0xB08;
	vm1 =	vcmask $0x300  }
0x2: {  	v0 =	vimm.s32 $0xEFCDAB89;
	v1 =	vimm.s32 $0x67452301;
	v57 =	vimm.s32 $0xDCFE98BA  }
0x3: {  	v59 =	vimm.s32 $0x54761032;
	v2 =	vimm.s32 $0xBA98FEDC;
	v3 =	vimm.s32 $0x32107654  }
0x4: {  	vm2 =	vcmask $0x700;
	v0 =	vunpack.c.l.s4.s8 v0;
	v1 =	vunpack.c.l.s4.s8 v1  }
0x5: {  	v60 =	vimm.s32 $0xFEDCBA98;
	vm0 =	vmor vm1, vm0;
	vm1 =	vcmask $0x1310  }
0x6: {  	v58 =	vunpack.c.l.s4.s8 v57;
	v0 =	vunpack.c.0.s8.s32 v0;
	v1 =	vunpack.c.0.s8.s32 v1  }
0x7: {  	v2 =	vunpack.c.l.s4.s8 v2;
	vm0 =	vmor vm0, vm1;
	vm1 =	vcmask $0x1B18  }
0x8: {  	v3 =	vunpack.c.l.s4.s8 v3;
	vm0 =	vmor vm0, vm1;
	v0 =	vcombine.low v1, v0  }
0x9: {  	s0 =	rddreg [dreg:$0x0];
	vm1 =	vcmask $0x2320;
	v2 =	vunpack.c.0.s8.s32 v2;
	v1 =	vunpack.c.l.s4.s8 v59  }
0xa: {  	s1 =	rddreg [dreg:$0x2];
	v3 =	vunpack.c.0.s8.s32 v3;
	vm0 =	vmor vm0, vm1;
	v0 =	vand.u32 $0xF, v0  }
0xb: {  	s2 =	rddreg [dreg:$0x3];
	vm1 =	vcmask $0x2B28;
	v1 =	vunpack.c.0.s8.s32 v1;
	[tilespmem:$0x1FFC0] =	vst v0;
	v0 =	vunpack.c.0.s8.s32 v58  }
0xc: {  	s3 =	rddreg [dreg:$0x4];
	s4 =	simm.s32 $0x0;
	s5 =	srdreg.scid;
	v61 =	vimm.s32 $0x76543210;
	vm0 =	vmor vm0, vm1;
	vm1 =	vcmask $0x3330  }
0xd: {  	s6 =	stileid.u32;
	s13 =	simm.s32 $0x1;
	s14 =	simm.s32 $0x1800;
	v2 =	vcombine.low v3, v2;
	v0 =	vcombine.low v1, v0;
	v1 =	vunpack.c.l.s4.s8 v60  }
0xe: {  	s19 =	simm.s32 $0x4B80;
	s20 =	simm.s32 $0x4C00;
	s5 =	sand.u32 $0x1, s5;
	v3 =	vunpack.c.l.s4.s8 v61;
	vm0 =	vmor vm0, vm1;
	vm1 =	vcmask $0x3B38  }
0xf: {  	s21 =	simm.s32 $0x0;
	s6 =	sshll.u32 s6, $0x1;
	s7 =	ssub.s32 $0x2, s5;
	vm0 =	vmor vm0, vm1;
	vm1 =	vcmask $0x1710;
	v62 =	vunpack.c.0.s8.s32 v1  }
0x10: {  	[smem:$0x7FF] =	sst s4;
	s10 =	sor.u32 s5, s6;
	s30 =	sshrl.u32 s7, $0x1;
	v63 =	vunpack.c.0.s8.s32 v3;
	v2 =	vand.u32 $0xF, v2;
	v0 =	vand.u32 $0xF, v0  }
0x11: {  	s5 =	sshll.u32 s10, $0x6;
	s8 =	sshll.u32 s10, $0x3;
	vm1 =	vmor vm2, vm1;
	vm2 =	vcmask $0x2720;
	_ =	strace $0x80000047;
	[tilespmem:$0x1FFD0] =	vst v0;
	v0 =	vand.u32 $0xF, v62  }
0x12: {  	s31 =	sshll.u32 s10, $0x5;
	s12 =	ssub.s32 s7, s30;
	s7 =	sadd.s32 s2, s8;
	vm1 =	vmor vm1, vm2;
	vm2 =	vcmask $0x3730;
	v0 =	vcombine.low v0, v63  }
0x13: {  	vm3 =	vcmask $0xF00;
	s6 =	sadd.s32 s1, s5;
	s11 =	sadd.s32 s3, s31;
	s8 =	sadd.s32 $0x400, s7;
	[tilespmem:$0x1FFE0] =	vst v2;
	vm1 =	vmor vm1, vm2;
	vm2 =	vcmask $0x2F20  }
0x14: {  	s9 =	sadd.s32 $0x600, s7;
	s10 =	sadd.s32 $0x200, s7;
	s12 =	smax.u32 s12, $0x1;
	vm2 =	vmor vm3, vm2;
	vm3 =	vmmov $0xff;
	[tilespmem:$0x1FFF0] =	vst v0  }
.LBB2_1:
0x15: {  	s1 =	rddreg [dreg:$0x1]  }
0x16: {  	[tilespmem:s4], [sflag:$0x1] =	stream.linear.gather [hbm4b:s1+s4], $0x1800, $0x38;
	[tilespmem:$0x4D00] =	vst v63  }
0x17: {  	_ =	swait.ge [sflag:s13], $0x1800  }
0x18: {  	s30 =	sand.u32 $0x70, s4;
	s2 =	sand.u32 $0x1C00, s4;
	[sflag:s13] =	ssyncset.done $0x0  }
0x19: {  	s2 =	sor.u32 s30, s2;
	[sflag:s13] =	ssyncadd.s32 $0xFFFFE800  }
0x1a: {  	v0 =	vld [tilespmem:s2+$0x300]  }
0x1b: {  	v1 =	vld [tilespmem:s2+$0x280]  }
0x1c: {  	v2 =	vld [tilespmem:s2+$0x80]  }
0x1d: {  	v3 =	vld [tilespmem:s2+$0x200]  }
0x1e: {  	v4 =	vld [tilespmem:s2+$0x100]  }
0x1f: {  	v5 =	vld [tilespmem:s2+$0x0]  }
0x20: {  	v59 =	vld [tilespmem:s2+$0x180];
	_ =	sdelay $0x2  }
0x21: {  	v6 =	vshrl.u32 v0, $0x10;
	v7 =	vshrl.u32 v1, $0x10  }
0x22: {  	v8 =	vshrl.u32 v2, $0x10;
	v9 =	vshrl.u32 v3, $0x10;
	v61 =	vshrl.u32 v4, $0x10  }
0x23: {  	v10 =	vshrl.u32 v5, $0x10;
	v62 =	vshrl.u32 v59, $0x10;
	v6 =	vand.u32 $0x1, v6  }
0x24: {  	v7 =	vand.u32 $0x1, v7;
	v60 =	vand.u32 $0x1, v8;
	v9 =	vand.u32 $0x1, v9  }
0x25: {  	v10 =	vand.u32 $0x1, v10;
	v8 =	vand.u32 $0x1, v61;
	v1 =	vadd.s32 v7, v1  }
0x26: {  	v63 =	vand.u32 $0x1, v62;
	v3 =	vadd.s32 v9, v3;
	v1 =	vadd.s32 $0x7FFF, v1  }
0x27: {  	v5 =	vadd.s32 v10, v5;
	v3 =	vadd.s32 $0x7FFF, v3;
	v1 =	vand.u32 $0xFFFF0000, v1  }
0x28: {  	v0 =	vadd.s32 v6, v0;
	v5 =	vadd.s32 $0x7FFF, v5;
	v3 =	vand.u32 $0xFFFF0000, v3;
	[tilespmem:s2+$0x280] =	vst v1  }
0x29: {  	v2 =	vadd.s32 v60, v2;
	v0 =	vadd.s32 $0x7FFF, v0;
	v1 =	vand.u32 $0xFFFF0000, v5;
	[tilespmem:s2+$0x200] =	vst v3  }
0x2a: {  	v0 =	vand.u32 $0xFFFF0000, v0;
	v3 =	vadd.s32 v8, v4;
	[tilespmem:s2+$0x0] =	vst v1;
	v1 =	vadd.s32 $0x7FFF, v2  }
0x2b: {  	[tilespmem:s2+$0x300] =	vst v0;
	v2 =	vadd.s32 v63, v59;
	v0 =	vadd.s32 $0x7FFF, v3;
	v1 =	vand.u32 $0xFFFF0000, v1  }
0x2c: {  	v2 =	vadd.s32 $0x7FFF, v2;
	v0 =	vand.u32 $0xFFFF0000, v0;
	[tilespmem:s2+$0x80] =	vst v1  }
0x2d: {  	s31 =	sor.u32 s4, s4;
	v1 =	vand.u32 $0xFFFF0000, v2;
	[tilespmem:s2+$0x100] =	vst v0  }
0x2e: {  	s1 =	sor.u32 $0x380, s31;
	[tilespmem:s2+$0x180] =	vst v1  }
0x2f: {  	s22 =	simm.s32 $0x10;
	s23 =	simm.s32 $0x0;
	v0 =	vld [tilespmem:s1+$0x0]  }
.LBB2_2:
0x30: {  	p0 =	sne.s32 s22, $0x2F0  }
0x31: {  	s23 =	sadd.s32 $0x80, s23;
	s24 =	smov.u32 s22;
	s22 =	sadd.s32 $0x10, s22  }
0x32: {  	_ =	sdelay $0x2  }
0x33: {  	v1 =	vshrl.u32 v0, $0x10  }
0x34: {  	v1 =	vand.u32 $0x1, v1  }
0x35: {  	v0 =	vadd.s32 v1, v0  }
0x36: {  	v0 =	vadd.s32 $0x7FFF, v0  }
0x37: {  	s2 =	sand.u32 $0x70, s24;
	s3 =	sand.u32 $0x1C00, s23;
	v0 =	vand.u32 $0xFFFF0000, v0  }
0x38: {  	s2 =	sor.u32 s2, s3;
	[tilespmem:s1+$0x0] =	vst v0  }
0x39: {  	v0 =	vld [tilespmem:s2+$0x300]  }
0x3a: {  	v1 =	vld [tilespmem:s2+$0x280]  }
0x3b: {  	v2 =	vld [tilespmem:s2+$0x80]  }
0x3c: {  	v3 =	vld [tilespmem:s2+$0x200]  }
0x3d: {  	v4 =	vld [tilespmem:s2+$0x100]  }
0x3e: {  	v5 =	vld [tilespmem:s2+$0x0];
	v6 =	vshrl.u32 v0, $0x10  }
0x3f: {  	v7 =	vshrl.u32 v1, $0x10;
	v6 =	vand.u32 $0x1, v6  }
0x40: {  	v8 =	vshrl.u32 v2, $0x10;
	v7 =	vand.u32 $0x1, v7;
	v0 =	vadd.s32 v6, v0  }
0x41: {  	v6 =	vld [tilespmem:s2+$0x180];
	v9 =	vshrl.u32 v3, $0x10;
	v1 =	vadd.s32 v7, v1;
	v0 =	vadd.s32 $0x7FFF, v0  }
0x42: {  	v7 =	vand.u32 $0x1, v8;
	v8 =	vshrl.u32 v4, $0x10;
	v1 =	vadd.s32 $0x7FFF, v1  }
0x43: {  	v9 =	vand.u32 $0x1, v9;
	v10 =	vshrl.u32 v5, $0x10;
	v1 =	vand.u32 $0xFFFF0000, v1  }
0x44: {  	v8 =	vand.u32 $0x1, v8;
	v3 =	vadd.s32 v9, v3;
	v10 =	vand.u32 $0x1, v10  }
0x45: {  	v4 =	vadd.s32 v8, v4;
	v3 =	vadd.s32 $0x7FFF, v3;
	v5 =	vadd.s32 v10, v5  }
0x46: {  	v3 =	vand.u32 $0xFFFF0000, v3;
	v5 =	vadd.s32 $0x7FFF, v5;
	v8 =	vshrl.u32 v6, $0x10;
	[tilespmem:s2+$0x280] =	vst v1  }
0x47: {  	v2 =	vadd.s32 v7, v2;
	v1 =	vand.u32 $0xFFFF0000, v5;
	v5 =	vand.u32 $0x1, v8;
	[tilespmem:s2+$0x200] =	vst v3  }
0x48: {  	v0 =	vand.u32 $0xFFFF0000, v0;
	[tilespmem:s2+$0x0] =	vst v1;
	v1 =	vadd.s32 $0x7FFF, v2;
	v2 =	vadd.s32 v5, v6  }
.Ltmp0:
0x49: {  	v3 =	vadd.s32 $0x7FFF, v4;
	v1 =	vand.u32 $0xFFFF0000, v1;
	v2 =	vadd.s32 $0x7FFF, v2;
	[tilespmem:s2+$0x300] =	vst v0;
	(pc) =	sbr.rel @p0 .LBB2_2-.Ltmp0, $4  }
0x4a: {  	s1 =	sor.u32 s23, s24;
	v0 =	vand.u32 $0xFFFF0000, v3;
	[tilespmem:s2+$0x80] =	vst v1;
	v1 =	vand.u32 $0xFFFF0000, v2  }
0x4b: {  	s1 =	sor.u32 $0x380, s1;
	[tilespmem:s2+$0x180] =	vst v1  }
0x4c: {  	[tilespmem:s2+$0x100] =	vst v0  }
0x4d: {  	v0 =	vld [tilespmem:s1+$0x0]  }
0x4e: {  	_ =	sdelay $0x3  }
0x4f: {  	v1 =	vshrl.u32 v0, $0x10  }
0x50: {  	v1 =	vand.u32 $0x1, v1  }
0x51: {  	v62 =	vadd.s32 v1, v0  }
0x52: {  	v0 =	vadd.s32 $0x7FFF, v62  }
0x53: {  	v0 =	vand.u32 $0xFFFF0000, v0  }
0x54: {  	v63 =	vimm.f32 $0.0e+00;
	[tilespmem:s1+$0x0] =	vst v0  }
0x55: {  	[tilespmem:$0x4C00] =	vst v63  }
0x56: {  	s22 =	simm.s32 $0x0;
	s23 =	simm.s32 $0x0;
	[tilespmem:$0x4C80] =	vst v63  }
.LBB2_4:
0x57: {  	s24 =	sshll.u32 s23, $0x4  }
0x58: {  	s1 =	sor.u32 s5, s24  }
0x59: {  	s1 =	sshrl.u32 s1, $0x3  }
0x5a: {  	s1 =	sor.u32 $0xF00, s1  }
0x5b: {  	s1 =	smul.u32 $0x300, s1;
	_ =	sdelay $0x1  }
0x5c: {  	s1 =	sadd.s32 s0, s1  }
0x5d: {  	[tilespmem:s14], [sflag:$0x1] =	stream.linear.gather [hbm4b:s1+s22], $0x3000, $0x38;
	[tilespmem:$0x4D00] =	vst v63  }
0x5e: {  	_ =	swait.ge [sflag:s13], $0x3000  }
0x5f: {  	v1 =	vimm.s32 $0x0;
	[sflag:s13] =	ssyncset.done $0x0  }
0x60: {  	v0 =	vimm.f32 $0.0e+00;
	v2 =	vimm.f32 $0.0e+00;
	v3 =	vimm.s32 $0x0;
	s25 =	simm.s32 $0x0;
	[sflag:s13] =	ssyncadd.s32 $0xFFFFD000  }
.LBB2_5:
0x61: {  	s1 =	sshrl.u32 s25, $0x2  }
0x62: {  	s2 =	sshll.u32 s25, $0x8;
	s1 =	smul.u32 $0x6000, s1  }
0x63: {  	s26 =	simm.s32 $0x0;
	s28 =	simm.s32 $0x0;
	s2 =	sand.u32 $0x300, s2  }
0x64: {  	s3 =	sand.u32 $0x40, s26;
	s30 =	sand.u32 $0x1C00, s28;
	s1 =	sshra.s32 s1, $0x2  }
0x65: {  	s29 =	sor.u32 s3, s30;
	s31 =	sor.u32 $0x30, s3;
	s1 =	sor.u32 s2, s1  }
0x66: {  	[tilespmem:$0x1FF00] =	vst v0;
	v0 =	vld [tilespmem:s29+$0x0];
	s17 =	sor.u32 s31, s30;
	s1 =	sadd.s32 $0x1800, s1  }
0x67: {  	v7 =	vld [tilespmem:s17+$0x0];
	[dreg:$0x6] =	wrdreg s1  }
0x68: {  	v6 =	vld [tilespmem:s17+$0x80];
	s15 =	rddreg [dreg:$0x6]  }
0x69: {  	v27 =	vld [tilespmem:s17+$0x100];
	s2 =	sadd.s32 s30, s15  }
0x6a: {  	v28 =	vld [tilespmem:s17+$0x180];
	s1 =	sor.u32 $0x20, s3;
	s15 =	sadd.s32 s31, s2  }
0x6b: {  	[tilespmem:$0x1FEE0] =	vst v2;
	s17 =	sor.u32 $0x10, s3;
	s18 =	sadd.s32 s1, s2;
	v2 =	vld [tilespmem:s15+$0x0]  }
0x6c: {  	[tilespmem:$0x1FED0] =	vst v3;
	v3 =	vld [tilespmem:s18+$0x0];
	s18 =	sadd.s32 s17, s2  }
0x6d: {  	v4 =	vld [tilespmem:s18+$0x0];
	s18 =	sadd.s32 s3, s2;
	s2 =	sadd.s32 $0x80, s2  }
0x6e: {  	v5 =	vld [tilespmem:s18+$0x0];
	s31 =	sadd.s32 s31, s2  }
0x6f: {  	s16 =	sor.u32 s1, s30;
	s1 =	sadd.s32 s1, s2;
	v8 =	vld [tilespmem:s31+$0x0]  }
0x70: {  	s18 =	sadd.s32 s17, s2;
	v9 =	vld [tilespmem:s1+$0x0]  }
0x71: {  	s2 =	sadd.s32 s3, s2;
	v10 =	vld [tilespmem:s18+$0x0]  }
0x72: {  	v11 =	vld [tilespmem:s2+$0x0]  }
0x73: {  	v42 =	vld [tilespmem:s29+$0x80];
	v12 =	vshrl.u32 v2, $0x10;
	v13 =	vshrl.u32 v3, $0x10  }
0x74: {  	v44 =	vld [tilespmem:s29+$0x100];
	v18 =	vshrl.u32 v4, $0x10;
	v12 =	vand.u32 $0x1, v12;
	v13 =	vand.u32 $0x1, v13  }
0x75: {  	[tilespmem:$0x1FEF0] =	vst v1;
	v1 =	vld [tilespmem:s16+$0x0];
	v14 =	vshrl.u32 v5, $0x10;
	v22 =	vand.u32 $0x1, v18;
	v2 =	vadd.s32 v12, v2  }
0x76: {  	p0 =	por $0x0, $0x0;
	v19 =	vld [tilespmem:s16+$0x80];
	s1 =	simm.s32 $0x1;
	v3 =	vadd.s32 v13, v3;
	v21 =	vshrl.u32 v9, $0x10;
	v20 =	vshrl.u32 v8, $0x10  }
0x77: {  	v60 =	vld [tilespmem:s16+$0x100];
	s1 =	simm.s32 @!p0 $0x0;
	v14 =	vand.u32 $0x1, v14;
	v23 =	vshrl.u32 v10, $0x10;
	v24 =	vshrl.u32 v11, $0x10  }
0x78: {  	v61 =	vld [tilespmem:s16+$0x180];
	s3 =	sor.u32 s17, s30;
	s1 =	sshll.u32 s1, $0x6;
	v4 =	vadd.s32 v22, v4;
	v2 =	vadd.s32 $0x7FFF, v2;
	v3 =	vadd.s32 $0x7FFF, v3  }
0x79: {  	v25 =	vld [tilespmem:s3+$0x80];
	s30 =	sadd.s32 $0x0, s1;
	v12 =	vand.u32 $0x1, v20;
	v13 =	vand.u32 $0x1, v21;
	v5 =	vadd.s32 v14, v5  }
0x7a: {  	v52 =	vld [tilespmem:s3+$0x100];
	s31 =	sadd.s32 $0x30, s30;
	v21 =	vand.u32 $0x1, v23;
	v23 =	vand.u32 $0x1, v24;
	v2 =	vand.u32 $0xFFFF0000, v2  }
0x7b: {  	v50 =	vld [tilespmem:s3+$0x180];
	s2 =	sor.u32 $0x200, s31;
	v4 =	vadd.s32 $0x7FFF, v4;
	v12 =	vadd.s32 v12, v8;
	v33 =	vmul.f32 v2, v7  }
0x7c: {  	s18 =	sor.u32 $0x300, s31;
	v15 =	vld [tilespmem:s2+$0x0];
	s2 =	sadd.s32 $0x30, s1;
	v34 =	vmul.f32 v2, v6;
	v9 =	vadd.s32 v13, v9;
	v49 =	vmul.f32 v2, v27  }
0x7d: {  	s30 =	sor.u32 $0x380, s31;
	v31 =	vld [tilespmem:s18+$0x0];
	s16 =	sadd.s32 $0xFFFFFFF0, s2;
	v8 =	vmul.f32 v2, v28;
	v13 =	vand.u32 $0xFFFF0000, v3;
	v26 =	vadd.s32 v21, v10  }
0x7e: {  	s17 =	sor.u32 $0x280, s31;
	v32 =	vld [tilespmem:s30+$0x0];
	v5 =	vadd.s32 $0x7FFF, v5;
	v39 =	vand.u32 $0xFFFF0000, v4;
	s31 =	sor.u32 $0x200, s16;
	v35 =	vmul.f32 v13, v1  }
0x7f: {  	v10 =	vadd.s32 v23, v11;
	s18 =	sor.u32 $0x300, s16;
	v36 =	vmul.f32 v13, v19;
	v40 =	vmul.f32 v39, v25;
	v29 =	vld [tilespmem:s31+$0x0]  }
0x80: {  	v41 =	vadd.s32 $0x7FFF, v12;
	v12 =	vmul.f32 v39, v52;
	v11 =	vmul.f32 v39, v50;
	v14 =	vld [tilespmem:s18+$0x0];
	s31 =	sadd.s32 $0xFFFFFFE0, s2  }
0x81: {  	v43 =	vadd.s32 $0x7FFF, v9;
	v45 =	vand.u32 $0xFFFF0000, v5;
	v4 =	vadd.s32 $0x7FFF, v10;
	s1 =	sor.u32 $0x380, s31;
	v20 =	vmovc v15;
	v15 =	vld [tilespmem:s17+$0x0]  }
0x82: {  	v5 =	vmul.f32 v45, v0;
	v4 =	vand.u32 $0xFFFF0000, v4;
	v58 =	vmul.f32 v45, v42;
	s17 =	sor.u32 $0x280, s16;
	v38 =	vld [tilespmem:s1+$0x0]  }
0x83: {  	s30 =	sor.u32 $0x380, s16;
	v9 =	vadd.s32 $0x7FFF, v26;
	v22 =	vmul.f32 v45, v44;
	v26 =	vmul.f32 v4, v0;
	s16 =	sor.u32 $0x280, s31;
	v30 =	vld [tilespmem:s17+$0x0]  }
0x84: {  	v63 =	vand.u32 $0xFFFF0000, v43;
	v42 =	vmul.f32 v4, v42;
	v3 =	vmul.f32 v2, v31;
	v57 =	vld [tilespmem:s16+$0x0]  }
0x85: {  	[tilespmem:$0x1FF10] =	vst v8;
	v16 =	vld [tilespmem:s30+$0x0];
	v19 =	vmul.f32 v63, v19;
	v8 =	vmul.f32 v2, v20  }
0x86: {  	v17 =	vld [tilespmem:s3+$0x0];
	v62 =	vmul.f32 v2, v32;
	s17 =	sor.u32 $0x300, s31;
	[tilespmem:$0x1FF50] =	vst v3;
	v3 =	vmul.f32 v13, v60  }
0x87: {  	v24 =	vimm.f32 $0.0e+00;
	s18 =	sadd.s32 $0xFFFFFFD0, s2;
	s15 =	sor.u32 $0x200, s31;
	v37 =	vld [tilespmem:s17+$0x0];
	[tilespmem:$0x1FF20] =	vst v8;
	v53 =	vmul.f32 v13, v29;
	v8 =	vmul.f32 v2, v15  }
0x88: {  	s30 =	sor.u32 s28, s26;
	s2 =	sor.u32 $0x200, s18;
	v0 =	vand.u32 $0xFFFF0000, v9;
	v54 =	vld [tilespmem:s15+$0x0];
	[tilespmem:$0x1FF30] =	vst v15;
	v2 =	vmul.f32 v13, v14;
	v51 =	vmul.f32 v39, v38  }
0x89: {  	v21 =	vld [tilespmem:s2+$0x0];
	s31 =	sor.u32 $0x380, s30;
	v15 =	vimm.f32 $0.0e+00;
	v48 =	vmul.f32 v13, v30;
	v10 =	vmul.f32 v39, v57;
	[tilespmem:$0x1FF40] =	vst v8  }
0x8a: {  	s1 =	sor.u32 $0x300, s18;
	v9 =	vld [tilespmem:s31+$0x0];
	v47 =	vadd.f32 v5, v15;
	v8 =	vmul.f32 v13, v61;
	[tilespmem:$0x1FF70] =	vst v2;
	v2 =	vmul.f32 v13, v16  }
0x8b: {  	[tilespmem:$0x1FF60] =	vst v14;
	v5 =	vld [tilespmem:s1+$0x0];
	v26 =	vadd.f32 v26, v15;
	v13 =	vmul.f32 v39, v17;
	v17 =	vmul.f32 v0, v17  }
0x8c: {  	[tilespmem:$0x1FF80] =	vst v16;
	v56 =	vadd.f32 v58, v15;
	v58 =	vmul.f32 v0, v25;
	v16 =	vld [tilespmem:s29+$0x180];
	v55 =	vmul.f32 v39, v37  }
0x8d: {  	[tilespmem:$0x1FF90] =	vst v2;
	v2 =	vmul.f32 v39, v54;
	v13 =	vadd.f32 v13, v47;
	v14 =	vadd.f32 v17, v26  }
0x8e: {  	s29 =	sor.u32 $0x280, s18;
	v47 =	vmul.f32 v45, v21;
	v17 =	vadd.f32 v42, v15;
	v39 =	vadd.f32 v40, v56  }
0x8f: {  	v23 =	vld [tilespmem:s29+$0x0];
	v42 =	vmul.f32 v63, v1;
	v1 =	vmul.f32 v45, v9;
	v15 =	vimm.f32 $0.0e+00  }
0x90: {  	v40 =	vadd.f32 v58, v17;
	v17 =	vmul.f32 v45, v5;
	v58 =	vand.u32 $0xFFFF0000, v41  }
0x91: {  	v13 =	vadd.f32 v35, v13;
	v36 =	vadd.f32 v36, v39;
	v59 =	vmul.f32 v45, v16  }
0x92: {  	v39 =	vimm.f32 $0.0e+00;
	v41 =	vmul.f32 v58, v7;
	v56 =	vmul.f32 v58, v6  }
0x93: {  	v35 =	vimm.f32 $0.0e+00;
	v7 =	vmul.f32 v4, v44;
	v6 =	vmul.f32 v4, v16  }
0x94: {  	v46 =	vmul.f32 v45, v23;
	v45 =	vadd.f32 v42, v14;
	v19 =	vadd.f32 v19, v40  }
0x95: {  	v16 =	vimm.f32 $0.0e+00;
	v33 =	vadd.f32 v33, v13;
	v34 =	vadd.f32 v34, v36  }
0x96: {  	v14 =	vimm.f32 $0.0e+00;
	v13 =	vimm.f32 $0.0e+00;
	v42 =	vimm.f32 $0.0e+00  }
0x97: {  	v40 =	vimm.f32 $0.0e+00;
	v36 =	vimm.f32 $0.0e+00;
	[tilespmem:$0x1FFA0] =	vst v13;
	v13 =	vimm.f32 $0.0e+00  }
0x98: {  	s28 =	simm.s32 $0x230;
	v18 =	vadd.f32 v41, v45;
	v19 =	vadd.f32 v56, v19;
	[tilespmem:$0x1FFB0] =	vst v13;
	v41 =	vimm.f32 $0.0e+00  }
.LBB2_6:
0x99: {  	_ =	sdelay $0x2  }
0x9a: {  	v13 =	vadd.f32 v22, v14  }
0x9b: {  	[tilespmem:$0x1FE50] =	vst v19;
	v19 =	vmul.f32 v0, v52;
	v7 =	vadd.f32 v7, v24;
	v43 =	vadd.f32 v59, v15  }
0x9c: {  	v44 =	vmul.f32 v0, v50;
	v6 =	vadd.f32 v6, v16;
	v12 =	vadd.f32 v12, v13  }
0x9d: {  	v7 =	vadd.f32 v19, v7;
	v13 =	vmul.f32 v63, v60;
	v11 =	vadd.f32 v11, v43  }
0x9e: {  	v15 =	vmul.f32 v63, v61;
	v6 =	vadd.f32 v44, v6;
	v3 =	vadd.f32 v3, v12  }
0x9f: {  	v7 =	vadd.f32 v13, v7;
	v12 =	vmul.f32 v58, v27;
	v8 =	vadd.f32 v8, v11  }
0xa0: {  	v6 =	vadd.f32 v15, v6;
	v11 =	vmul.f32 v58, v28;
	v3 =	vadd.f32 v49, v3;
	_ =	sdelay $0x1  }
0xa1: {  	v6 =	vadd.f32 v11, v6;
	[tilespmem:$0x1FE90] =	vst v3;
	v3 =	vadd.f32 v12, v7;
	v7 =	vld [tilespmem:$0x1FF10];
	_ =	sdelay $0x1  }
0xa2: {  	[tilespmem:$0x1FEB0] =	vst v6;
	v6 =	vld [tilespmem:$0x1FFA0]  }
0xa3: {  	s29 =	sadd.s32 $0xFFFFFFD0, s28;
	s26 =	sadd.s32 $0x40, s26  }
0xa4: {  	s31 =	sand.u32 $0x40, s26;
	s3 =	sand.u32 $0x1C00, s29  }
0xa5: {  	s30 =	sor.u32 s31, s3;
	v7 =	vadd.f32 v7, v8  }
0xa6: {  	v56 =	vld [tilespmem:s30+$0x100]  }
0xa7: {  	[tilespmem:$0x1FE80] =	vst v7;
	v7 =	vadd.f32 v47, v6;
	v6 =	vld [tilespmem:$0x1FFB0]  }
0xa8: {  	s2 =	sor.u32 $0x30, s31;
	v14 =	vld [tilespmem:s30+$0x0]  }
0xa9: {  	s15 =	sor.u32 s2, s3;
	v59 =	vld [tilespmem:s30+$0x80]  }
0xaa: {  	s1 =	sor.u32 $0x20, s31;
	v24 =	vld [tilespmem:s15+$0x100];
	v13 =	vmul.f32 v4, v21;
	[tilespmem:$0x1FEC0] =	vst v3;
	v3 =	vmul.f32 v4, v23  }
0xab: {  	s16 =	sor.u32 s1, s3;
	v45 =	vld [tilespmem:s15+$0x180];
	v12 =	vadd.f32 v46, v41  }
0xac: {  	v25 =	vld [tilespmem:s16+$0x0];
	v3 =	vadd.f32 v3, v42;
	v8 =	vadd.f32 v13, v6;
	v13 =	vmul.f32 v0, v57  }
0xad: {  	v26 =	vld [tilespmem:s16+$0x80]  }
0xae: {  	[tilespmem:$0x1FE30] =	vst v18;
	v18 =	vld [tilespmem:s16+$0x100];
	v10 =	vadd.f32 v10, v12;
	v12 =	vmul.f32 v63, v30;
	v3 =	vadd.f32 v13, v3  }
0xaf: {  	v13 =	vld [tilespmem:$0x1FF20]  }
0xb0: {  	v11 =	vmul.f32 v0, v54;
	v2 =	vadd.f32 v2, v7;
	v3 =	vadd.f32 v12, v3;
	v12 =	vld [tilespmem:$0x1FF30]  }
0xb1: {  	s18 =	rddreg [dreg:$0x6];
	v5 =	vmul.f32 v4, v5;
	s17 =	sor.u32 $0x10, s31;
	v44 =	vld [tilespmem:s15+$0x80];
	v4 =	vmul.f32 v4, v9  }
0xb2: {  	v15 =	vld [tilespmem:s15+$0x0];
	s15 =	sadd.s32 s3, s18;
	s3 =	sor.u32 s17, s3;
	v2 =	vadd.f32 v53, v2;
	v8 =	vadd.f32 v11, v8;
	v11 =	vmul.f32 v63, v29  }
0xb3: {  	v19 =	vld [tilespmem:s3+$0x0];
	v9 =	vmul.f32 v0, v37;
	v4 =	vadd.f32 v4, v36;
	v0 =	vmul.f32 v0, v38  }
0xb4: {  	v7 =	vld [tilespmem:s16+$0x180];
	v8 =	vadd.f32 v11, v8;
	v11 =	vmul.f32 v58, v20;
	v2 =	vadd.f32 v13, v2  }
0xb5: {  	v0 =	vadd.f32 v0, v4;
	v4 =	vld [tilespmem:$0x1FF80];
	v12 =	vmul.f32 v58, v12  }
0xb6: {  	[tilespmem:$0x1FFA0] =	vst v2;
	v2 =	vadd.f32 v11, v8;
	v8 =	vld [tilespmem:$0x1FF40]  }
0xb7: {  	s16 =	sadd.s32 s2, s15;
	v13 =	vld [tilespmem:$0x1FF70];
	v3 =	vadd.f32 v12, v3  }
0xb8: {  	s18 =	sadd.s32 s1, s15;
	[tilespmem:$0x1FFB0] =	vst v2;
	v2 =	vld [tilespmem:s16+$0x0]  }
0xb9: {  	v10 =	vadd.f32 v48, v10;
	s16 =	sadd.s32 s17, s15;
	[tilespmem:$0x1FE40] =	vst v3;
	v3 =	vld [tilespmem:s18+$0x0];
	s18 =	sadd.s32 s31, s15;
	s15 =	sadd.s32 $0x80, s15  }
0xba: {  	v11 =	vld [tilespmem:s18+$0x0];
	s1 =	sadd.s32 s1, s15  }
0xbb: {  	p0 =	por !p0, !p0;
	v6 =	vadd.f32 v8, v10;
	v8 =	vadd.f32 v17, v39;
	s17 =	sadd.s32 s17, s15;
	v17 =	vld [tilespmem:s1+$0x0]  }
0xbc: {  	v4 =	vmul.f32 v63, v4;
	s2 =	sadd.s32 s2, s15;
	s15 =	sadd.s32 s31, s15;
	s1 =	simm.s32 $0x1;
	v21 =	vld [tilespmem:s17+$0x0]  }
0xbd: {  	v23 =	vld [tilespmem:s15+$0x0];
	v8 =	vadd.f32 v55, v8;
	s1 =	simm.s32 @!p0 $0x0  }
0xbe: {  	v0 =	vadd.f32 v4, v0;
	v4 =	vmul.f32 v58, v32;
	[tilespmem:$0x1FE60] =	vst v6;
	v6 =	vld [tilespmem:$0x1FF60];
	s1 =	sshll.u32 s1, $0x6  }
0xbf: {  	v1 =	vadd.f32 v1, v35;
	[tilespmem:$0x1FE20] =	vst v14;
	v14 =	vshrl.u32 v2, $0x10;
	v8 =	vadd.f32 v13, v8;
	v13 =	vld [tilespmem:$0x1FF90];
	s18 =	sadd.s32 s29, s1  }
0xc0: {  	v5 =	vadd.f32 v5, v40;
	v0 =	vadd.f32 v4, v0;
	v12 =	vld [tilespmem:s2+$0x0];
	v4 =	vand.u32 $0x1, v14;
	s2 =	sadd.s32 $0x30, s18  }
0xc1: {  	v1 =	vadd.f32 v51, v1;
	v10 =	vld [tilespmem:s16+$0x0];
	v2 =	vadd.s32 v4, v2;
	s31 =	sor.u32 $0x200, s2  }
0xc2: {  	v5 =	vadd.f32 v9, v5;
	[tilespmem:$0x1FE70] =	vst v0;
	v0 =	vshrl.u32 v11, $0x10;
	v2 =	vadd.s32 $0x7FFF, v2;
	s15 =	sor.u32 $0x280, s2;
	v20 =	vld [tilespmem:s31+$0x0]  }
0xc3: {  	v0 =	vand.u32 $0x1, v0;
	v14 =	vshrl.u32 v21, $0x10;
	s16 =	sor.u32 $0x300, s2;
	s2 =	sor.u32 $0x380, s2;
	v9 =	vmul.f32 v63, v6;
	v16 =	vld [tilespmem:s15+$0x0]  }
0xc4: {  	s1 =	sadd.s32 s28, s1;
	v22 =	vshrl.u32 v23, $0x10;
	v2 =	vand.u32 $0xFFFF0000, v2;
	v36 =	vld [tilespmem:s2+$0x0];
	v1 =	vadd.f32 v13, v1  }
0xc5: {  	s17 =	sadd.s32 $0xFFFFFFF0, s1;
	v35 =	vld [tilespmem:s16+$0x0];
	v0 =	vadd.s32 v0, v11;
	v5 =	vadd.f32 v9, v5;
	v9 =	vmul.f32 v58, v31  }
0xc6: {  	s18 =	sor.u32 $0x200, s17;
	v43 =	vmul.f32 v2, v44;
	v49 =	vmul.f32 v2, v24;
	v13 =	vld [tilespmem:$0x1FF50];
	v1 =	vadd.f32 v62, v1  }
0xc7: {  	v29 =	vld [tilespmem:s18+$0x0];
	s31 =	sor.u32 $0x280, s17;
	s16 =	sadd.s32 $0xFFFFFFE0, s1;
	v42 =	vadd.f32 v9, v5;
	v5 =	vshrl.u32 v3, $0x10;
	v9 =	vshrl.u32 v12, $0x10  }
0xc8: {  	v30 =	vld [tilespmem:s31+$0x0];
	s15 =	sor.u32 $0x300, s16;
	v5 =	vand.u32 $0x1, v5;
	v4 =	vand.u32 $0x1, v9;
	[tilespmem:$0x1FEA0] =	vst v1;
	v1 =	vshrl.u32 v10, $0x10  }
0xc9: {  	s18 =	sor.u32 $0x200, s16;
	s31 =	sor.u32 $0x280, s16;
	s16 =	sor.u32 $0x380, s16;
	v37 =	vld [tilespmem:s15+$0x0];
	v9 =	vand.u32 $0x1, v22;
	v39 =	vmul.f32 v2, v36;
	v1 =	vand.u32 $0x1, v1  }
0xca: {  	v38 =	vld [tilespmem:s16+$0x0];
	v3 =	vadd.s32 v5, v3;
	v1 =	vadd.s32 v1, v10;
	v10 =	vmul.f32 v2, v45  }
0xcb: {  	v4 =	vadd.s32 v4, v12;
	v6 =	vadd.f32 v13, v8;
	v13 =	vld [tilespmem:s3+$0x80];
	v8 =	vshrl.u32 v17, $0x10  }
0xcc: {  	v52 =	vld [tilespmem:s3+$0x100];
	v5 =	vand.u32 $0x1, v8;
	v1 =	vadd.s32 $0x7FFF, v1;
	[tilespmem:$0x1FF10] =	vst v10;
	v10 =	vmul.f32 v2, v20  }
0xcd: {  	v50 =	vld [tilespmem:s3+$0x180];
	s3 =	sor.u32 $0x300, s17;
	v8 =	vand.u32 $0x1, v14;
	v14 =	vmul.f32 v2, v15;
	v1 =	vand.u32 $0xFFFF0000, v1  }
0xce: {  	v3 =	vadd.s32 $0x7FFF, v3;
	v11 =	vld [tilespmem:s3+$0x0];
	v31 =	vmul.f32 v1, v19;
	[tilespmem:$0x1FF20] =	vst v10;
	v10 =	vmul.f32 v2, v16  }
0xcf: {  	v54 =	vld [tilespmem:s18+$0x0];
	s17 =	sor.u32 $0x380, s17;
	v5 =	vadd.s32 v5, v17;
	v55 =	vmul.f32 v1, v37;
	v51 =	vmul.f32 v1, v38  }
0xd0: {  	v12 =	vld [tilespmem:s17+$0x0];
	v61 =	vmul.f32 v1, v13;
	[tilespmem:$0x1FF40] =	vst v10;
	v10 =	vand.u32 $0xFFFF0000, v3;
	v3 =	vmul.f32 v2, v35  }
0xd1: {  	s1 =	sadd.s32 $0xFFFFFFD0, s1;
	v57 =	vld [tilespmem:s31+$0x0];
	v17 =	vadd.s32 v9, v23;
	v60 =	vmul.f32 v10, v25;
	v27 =	vmul.f32 v10, v26  }
0xd2: {  	v28 =	vld [tilespmem:s30+$0x180];
	s18 =	sor.u32 $0x280, s1;
	v2 =	vadd.s32 v8, v21;
	v8 =	vmul.f32 v10, v7;
	v53 =	vmul.f32 v10, v29  }
0xd3: {  	s17 =	sor.u32 $0x200, s1;
	s1 =	sor.u32 $0x300, s1;
	v23 =	vld [tilespmem:s18+$0x0];
	v63 =	vadd.s32 $0x7FFF, v5;
	[tilespmem:$0x1FF60] =	vst v11;
	v48 =	vmul.f32 v10, v30;
	v9 =	vmul.f32 v10, v11  }
0xd4: {  	v5 =	vld [tilespmem:s1+$0x0];
	v11 =	vmul.f32 v1, v50;
	v62 =	vadd.s32 $0x7FFF, v2;
	v2 =	vmul.f32 v1, v54;
	[tilespmem:$0x1FF50] =	vst v3  }
0xd5: {  	s30 =	sor.u32 s29, s26;
	v0 =	vadd.s32 $0x7FFF, v0;
	v21 =	vld [tilespmem:s17+$0x0];
	v3 =	vmul.f32 v10, v18;
	[tilespmem:$0x1FF70] =	vst v9;
	v9 =	vmul.f32 v10, v12  }
0xd6: {  	s31 =	sor.u32 $0x380, s30;
	[tilespmem:$0x1FF80] =	vst v12;
	v12 =	vmul.f32 v1, v52;
	v10 =	vmul.f32 v1, v57;
	v1 =	vadd.s32 $0x7FFF, v17;
	v17 =	vld [tilespmem:$0x1FE20]  }
0xd7: {  	v0 =	vand.u32 $0xFFFF0000, v0;
	[tilespmem:$0x1FF90] =	vst v9;
	v9 =	vld [tilespmem:s31+$0x0]  }
0xd8: {  	v22 =	vmul.f32 v0, v56;
	v4 =	vadd.s32 $0x7FFF, v4  }
0xd9: {  	v41 =	vmovc v59;
	[tilespmem:$0x1FF30] =	vst v16;
	v58 =	vand.u32 $0xFFFF0000, v4;
	v16 =	vmul.f32 v0, v59;
	v59 =	vmul.f32 v0, v28  }
0xda: {  	v46 =	vmul.f32 v0, v23;
	v4 =	vand.u32 $0xFFFF0000, v1;
	v47 =	vmul.f32 v0, v21  }
0xdb: {  	v32 =	vmul.f32 v0, v17;
	v40 =	vmul.f32 v4, v17  }
0xdc: {  	v17 =	vmul.f32 v0, v5;
	v1 =	vmul.f32 v0, v9;
	v0 =	vand.u32 $0xFFFF0000, v62;
	v62 =	vmovc v39;
	v39 =	vmovc v6;
	v6 =	vld [tilespmem:$0x1FE30];
	_ =	sdelay $0x3  }
0xdd: {  	v16 =	vadd.f32 v16, v34  }
0xde: {  	v32 =	vadd.f32 v32, v33;
	v33 =	vadd.f32 v40, v6;
	v6 =	vld [tilespmem:$0x1FE50];
	_ =	sdelay $0x1  }
0xdf: {  	v16 =	vadd.f32 v61, v16  }
0xe0: {  	v41 =	vmul.f32 v4, v41  }
0xe1: {  	v63 =	vand.u32 $0xFFFF0000, v63;
	v16 =	vadd.f32 v27, v16;
	v27 =	vmovc v24;
	v24 =	vld [tilespmem:$0x1FEC0];
	v31 =	vadd.f32 v31, v32  }
0xe2: {  	v19 =	vmul.f32 v0, v19;
	v13 =	vmul.f32 v0, v13;
	v32 =	vmovc v36;
	v36 =	vld [tilespmem:$0x1FE70];
	v34 =	vadd.f32 v41, v6  }
0xe3: {  	p1 =	sne.s32 s28, $0x1630;
	v61 =	vmov v7;
	v7 =	vmul.f32 v63, v26;
	v40 =	vmov v42;
	v42 =	vld [tilespmem:$0x1FE40]  }
.Ltmp1:
0xe4: {  	v19 =	vadd.f32 v19, v33;
	v41 =	vld [tilespmem:$0x1FE60];
	v6 =	vmul.f32 v63, v25;
	v13 =	vadd.f32 v13, v34;
	(pc) =	sbr.rel @p1 .LBB2_6-.Ltmp1, $4  }
0xe5: {  	v26 =	vmul.f32 v58, v44;
	v25 =	vadd.f32 v60, v31;
	v31 =	vmov v35;
	v35 =	vld [tilespmem:$0x1FEA0]  }
0xe6: {  	v6 =	vadd.f32 v6, v19;
	v19 =	vmul.f32 v58, v15;
	v15 =	vld [tilespmem:$0x1FE80];
	v13 =	vadd.f32 v7, v13  }
0xe7: {  	v60 =	vmovc v18;
	v33 =	vadd.f32 v14, v25;
	v14 =	vld [tilespmem:$0x1FE90];
	v34 =	vadd.f32 v43, v16;
	v7 =	vmul.f32 v4, v56  }
0xe8: {  	s28 =	sadd.s32 $0x200, s28;
	v16 =	vld [tilespmem:$0x1FEB0];
	v18 =	vadd.f32 v19, v6;
	v6 =	vmul.f32 v4, v28;
	v28 =	vmovc v45;
	v19 =	vadd.f32 v26, v13  }
0xe9: {  	v56 =	vmul.f32 v0, v52  }
0xea: {  	v7 =	vadd.f32 v7, v24;
	v60 =	vmul.f32 v63, v60;
	v24 =	vmul.f32 v58, v28  }
0xeb: {  	v25 =	vmul.f32 v4, v21;
	v44 =	vmul.f32 v0, v54  }
0xec: {  	v45 =	vadd.f32 v46, v41;
	v46 =	vmul.f32 v0, v57;
	v57 =	vadd.f32 v17, v39  }
0xed: {  	v5 =	vmul.f32 v4, v5;
	v1 =	vadd.f32 v1, v35;
	v15 =	vadd.f32 v59, v15  }
0xee: {  	v28 =	vld [tilespmem:$0x1FFA0];
	v59 =	vmul.f32 v0, v50;
	v7 =	vadd.f32 v56, v7;
	v10 =	vadd.f32 v10, v45  }
0xef: {  	v5 =	vadd.f32 v5, v40;
	v13 =	vadd.f32 v22, v14;
	v22 =	vmul.f32 v58, v27  }
0xf0: {  	v52 =	vld [tilespmem:$0x1FF30];
	v27 =	vmul.f32 v4, v23;
	v1 =	vadd.f32 v51, v1;
	v6 =	vadd.f32 v6, v16  }
0xf1: {  	v54 =	vld [tilespmem:$0x1FF40];
	v4 =	vmul.f32 v4, v9;
	v11 =	vadd.f32 v11, v15;
	v7 =	vadd.f32 v60, v7  }
0xf2: {  	v43 =	vld [tilespmem:$0x1FFB0];
	v50 =	vmul.f32 v58, v20;
	v10 =	vadd.f32 v48, v10;
	v12 =	vadd.f32 v12, v13  }
0xf3: {  	v20 =	vld [tilespmem:$0x1FFC0];
	v16 =	vmul.f32 v63, v61;
	v13 =	vadd.f32 v47, v28;
	v4 =	vadd.f32 v4, v36  }
0xf4: {  	v26 =	vld [tilespmem:$0x1FF10];
	v47 =	vmul.f32 v63, v29;
	v6 =	vadd.f32 v59, v6;
	v8 =	vadd.f32 v8, v11  }
0xf5: {  	v14 =	vmul.f32 v58, v52;
	v7 =	vadd.f32 v22, v7;
	v11 =	vadd.f32 v27, v42  }
0xf6: {  	v9 =	vadd.f32 v54, v10;
	v59 =	vmul.f32 v0, v37;
	v3 =	vadd.f32 v3, v12  }
0xf7: {  	v60 =	vld [tilespmem:$0x1FF60];
	v0 =	vmul.f32 v0, v38;
	v12 =	vadd.f32 v25, v43;
	v2 =	vadd.f32 v2, v13  }
0xf8: {  	v21 =	vperm.xlane v33, v20;
	v22 =	vperm.xlane v34, v20;
	v6 =	vadd.f32 v16, v6  }
0xf9: {  	v61 =	vld [tilespmem:$0x1FF70];
	v29 =	vperm.xlane v19, v20;
	v8 =	vadd.f32 v26, v8;
	v11 =	vadd.f32 v46, v11  }
0xfa: {  	v38 =	vld [tilespmem:$0x1FFD0];
	v5 =	vadd.f32 v59, v5;
	v0 =	vadd.f32 v0, v4;
	v26 =	vperm.xlane v9, v20  }
0xfb: {  	v4 =	vld [tilespmem:$0x1FF80];
	v3 =	vadd.f32 v49, v3;
	v12 =	vadd.f32 v44, v12;
	v49 =	vmul.f32 v63, v30  }
0xfc: {  	v16 =	vld [tilespmem:$0x1FF90];
	v2 =	vadd.f32 v53, v2;
	v13 =	vmul.f32 v63, v60;
	v30 =	vsel vm0, v18, v19  }
0xfd: {  	v53 =	vld [tilespmem:$0x1FF20];
	v6 =	vadd.f32 v24, v6;
	v24 =	vsel vm0, v33, v34;
	v12 =	vadd.f32 v47, v12  }
0xfe: {  	v11 =	vadd.f32 v49, v11;
	v5 =	vadd.f32 v13, v5;
	v13 =	vsel vm0, v21, v22  }
0xff: {  	v23 =	vperm.xlane v8, v20;
	v13 =	vadd.f32 v13, v24;
	v12 =	vadd.f32 v50, v12  }
0x100: {  	v56 =	vadd.f32 v14, v11;
	v11 =	vadd.f32 v55, v57;
	v4 =	vmul.f32 v63, v4  }
0x101: {  	v17 =	vld [tilespmem:$0x1FF50];
	v63 =	vmul.f32 v58, v31;
	v1 =	vadd.f32 v16, v1;
	v31 =	vperm.xlane v7, v20  }
0x102: {  	v2 =	vadd.f32 v53, v2;
	v39 =	vperm.xlane v13, v38;
	v11 =	vadd.f32 v61, v11  }
0x103: {  	v0 =	vadd.f32 v4, v0;
	v4 =	vmul.f32 v58, v32;
	v5 =	vadd.f32 v63, v5  }
0x104: {  	v1 =	vadd.f32 v62, v1;
	v32 =	vperm.xlane v6, v20;
	v6 =	vsel vm0, v7, v6  }
0x105: {  	v34 =	vperm.xlane v12, v20;
	v35 =	vperm.xlane v56, v20;
	v10 =	vsel vm0, v12, v56  }
0x106: {  	v25 =	vperm.xlane v2, v20;
	v2 =	vsel vm0, v2, v9;
	v11 =	vadd.f32 v17, v11  }
0x107: {  	v0 =	vadd.f32 v4, v0;
	v4 =	vperm.xlane v3, v20;
	v3 =	vsel vm0, v3, v8  }
0x108: {  	v28 =	vperm.xlane v1, v20;
	v33 =	vsel vm0, v31, v32;
	v36 =	vperm.xlane v5, v20  }
0x109: {  	v6 =	vadd.f32 v33, v6;
	v4 =	vsel vm0, v4, v23;
	v27 =	vperm.xlane v11, v20  }
0x10a: {  	v1 =	vsel vm0, v11, v1;
	v37 =	vperm.xlane v0, v20;
	v0 =	vsel vm0, v5, v0  }
0x10b: {  	v3 =	vadd.f32 v4, v3;
	v4 =	vsel vm0, v25, v26;
	v43 =	vperm.xlane v6, v38  }
0x10c: {  	v2 =	vadd.f32 v4, v2;
	v4 =	vperm.xlane v18, v20;
	v8 =	vsel vm0, v27, v28  }
0x10d: {  	v5 =	vsel vm0, v36, v37;
	v1 =	vadd.f32 v8, v1;
	v8 =	vsel vm0, v34, v35  }
0x10e: {  	v40 =	vperm.xlane v3, v38;
	v0 =	vadd.f32 v5, v0;
	v3 =	vsel vm1, v13, v3  }
0x10f: {  	v4 =	vsel vm0, v4, v29;
	v8 =	vadd.f32 v8, v10;
	v41 =	vperm.xlane v2, v38  }
0x110: {  	v46 =	vld [tilespmem:$0x1FFE0];
	v4 =	vadd.f32 v4, v30;
	v5 =	vsel vm1, v39, v40;
	v42 =	vperm.xlane v1, v38  }
0x111: {  	v1 =	vsel vm1, v2, v1;
	v45 =	vperm.xlane v0, v38;
	v44 =	vperm.xlane v8, v38  }
0x112: {  	v3 =	vadd.f32 v5, v3;
	v2 =	vperm.xlane v4, v38;
	v7 =	vsel vm1, v41, v42  }
0x113: {  	v0 =	vsel vm1, v8, v0;
	v1 =	vadd.f32 v7, v1;
	v5 =	vsel vm1, v44, v45  }
0x114: {  	v4 =	vsel vm1, v4, v6;
	v2 =	vsel vm1, v2, v43;
	v0 =	vadd.f32 v5, v0  }
0x115: {  	v2 =	vadd.f32 v2, v4;
	v4 =	vperm.xlane v3, v46;
	v5 =	vperm.xlane v1, v46;
	_ =	sdelay $0x1  }
0x116: {  	v1 =	vsel vm2, v3, v1;
	v3 =	vsel vm2, v4, v5  }
0x117: {  	v48 =	vperm.xlane v0, v46;
	v47 =	vperm.xlane v2, v46;
	v1 =	vadd.f32 v3, v1;
	v3 =	vld [tilespmem:$0x1FFF0];
	_ =	sdelay $0x1  }
0x118: {  	v0 =	vsel vm2, v2, v0;
	v2 =	vsel vm2, v47, v48  }
0x119: {  	v0 =	vadd.f32 v2, v0;
	_ =	sdelay $0x1  }
0x11a: {  	v2 =	vperm.xlane v1, v3;
	v3 =	vperm.xlane v0, v3;
	_ =	sdelay $0x1  }
0x11b: {  	v0 =	vsel vm3, v1, v0;
	v1 =	vsel vm3, v2, v3  }
0x11c: {  	v49 =	vlaneseq.u32;
	v0 =	vadd.f32 v1, v0  }
0x11d: {  	v1 =	vand.u32 $0x7, v49  }
0x11e: {  	v3 =	vperm.xlane v1, v20;
	v2 =	vperm.xlane v0, v20;
	_ =	sdelay $0x1  }
0x11f: {  	vm5 =	vlt.s32 v3, v1;
	vm4 =	veq.f32 v2, v0  }
0x120: {  	vm6 =	vgt.f32 v2, v0;
	vm4 =	vmand vm4, vm5  }
0x121: {  	vm4 =	vmor vm6, vm4  }
0x122: {  	v2 =	vsel vm4, v2, v0;
	v4 =	vsel vm4, v3, v1  }
0x123: {  	v5 =	vperm.xlane v2, v38;
	v50 =	vperm.xlane v4, v38;
	_ =	sdelay $0x1  }
0x124: {  	vm4 =	veq.f32 v5, v2;
	vm14 =	vlt.s32 v50, v4  }
0x125: {  	vm7 =	vgt.f32 v5, v2;
	vm4 =	vmand vm4, vm14  }
0x126: {  	vm4 =	vmor vm7, vm4  }
0x127: {  	v2 =	vsel vm4, v5, v2;
	v4 =	vsel vm4, v50, v4  }
0x128: {  	v5 =	vperm.xlane v2, v46;
	v6 =	vperm.xlane v4, v46;
	_ =	sdelay $0x1  }
0x129: {  	vm4 =	veq.f32 v5, v2;
	vm15 =	vlt.s32 v6, v4  }
0x12a: {  	vm9 =	vgt.f32 v5, v2;
	vm4 =	vmand vm4, vm15  }
0x12b: {  	vm6 =	vmor vm9, vm4  }
0x12c: {  	v4 =	vsel vm6, v6, v4  }
0x12d: {  	vm4 =	veq.s32 v4, v1  }
0x12e: {  	v51 =	vsel vm4, $0xFF800000, v0  }
0x12f: {  	v52 =	vperm.xlane v51, v20;
	_ =	sdelay $0x1  }
0x130: {  	vm10 =	veq.f32 v52, v51  }
0x131: {  	vm11 =	vgt.f32 v52, v51;
	vm5 =	vmand vm5, vm10  }
0x132: {  	vm5 =	vmor vm11, vm5  }
0x133: {  	v6 =	vsel vm5, v52, v51;
	v3 =	vsel vm5, v3, v1  }
0x134: {  	v7 =	vperm.xlane v6, v38;
	v53 =	vperm.xlane v3, v38;
	_ =	sdelay $0x1  }
0x135: {  	vm5 =	veq.f32 v7, v6;
	vm12 =	vlt.s32 v53, v3  }
0x136: {  	vm13 =	vgt.f32 v7, v6;
	vm5 =	vmand vm5, vm12  }
0x137: {  	vm5 =	vmor vm13, vm5  }
0x138: {  	v6 =	vsel vm5, v7, v6;
	v3 =	vsel vm5, v53, v3  }
0x139: {  	v7 =	vperm.xlane v6, v46;
	v8 =	vperm.xlane v3, v46;
	_ =	sdelay $0x1  }
0x13a: {  	vm5 =	veq.f32 v7, v6;
	vm14 =	vlt.s32 v8, v3  }
0x13b: {  	vm15 =	vgt.f32 v7, v6;
	vm5 =	vmand vm5, vm14  }
0x13c: {  	vm5 =	vmor vm15, vm5  }
0x13d: {  	v2 =	vsel vm6, v5, v2;
	v5 =	vsel vm5, v7, v6  }
0x13e: {  	v5 =	vsub.f32 v5, v2;
	_ =	sdelay $0x1  }
0x13f: {  	v5 =	vmul.f32 $1.442695020e+00, v5;
	_ =	sdelay $0x1  }
0x140: {  	(erf) = vpow2.f32 v5;
	_ =	sdelay $0x8  }
0x141: {  	v2 =	vsub.f32 v0, v2;
	v5 =	vpop (erf)  }
0x142: {  	v54 =	vadd.f32 $1.000000000e+00, v5  }
0x143: {  	v2 =	vmul.f32 $1.442695020e+00, v2  }
0x144: {  	(erf) = vrcp.f32 v54  }
0x145: {  	(erf) = vpow2.f32 v2;
	_ =	sdelay $0x7  }
0x146: {  	v2 =	vpop (erf)  }
0x147: {  	v55 =	vpop (erf)  }
0x148: {  	v56 =	vperm.xlane v55, v20;
	_ =	sdelay $0x1  }
0x149: {  	v7 =	vadd.f32 v55, v56;
	_ =	sdelay $0x1  }
0x14a: {  	v57 =	vperm.xlane v7, v38;
	_ =	sdelay $0x1  }
0x14b: {  	v7 =	vadd.f32 v7, v57;
	_ =	sdelay $0x1  }
0x14c: {  	v9 =	vperm.xlane v7, v46;
	_ =	sdelay $0x1  }
0x14d: {  	v7 =	vadd.f32 v7, v9;
	_ =	sdelay $0x1  }
0x14e: {  	(erf) = vrcp.f32 v7;
	_ =	sdelay $0x1  }
0x14f: {  	s1 =	sshll.u32 s25, $0x1  }
0x150: {  	s2 =	sadd.s32 s24, s1  }
0x151: {  	s2 =	sshll.u32 s2, $0x3  }
0x152: {  	s2 =	sand.u32 $0x3FFFFFF8, s2  }
0x153: {  	[tilespmem:s2+$0x4800] =	vst v0;
	v0 =	vsel vm5, v8, v3  }
0x154: {  	vm5 =	veq.s32 v0, v1;
	v1 =	vld [tilespmem:$0x4C80];
	_ =	sdelay $0x1  }
0x155: {  	v60 =	vpop (erf)  }
0x156: {  	v3 =	vld [tilespmem:$0x4C00];
	v6 =	vmul.f32 v60, v55  }
0x157: {  	v58 =	vimm.f32 $0.0e+00  }
0x158: {  	v59 =	vsel vm4, $0x3F800000, v58;
	v8 =	vsel vm5, $0x3F800000, v58;
	v1 =	vadd.f32 v6, v1  }
0x159: {  	v7 =	vadd.f32 v8, v59  }
0x15a: {  	v61 =	vand.u32 $0x1, v49;
	[tilespmem:$0x4C80] =	vst v1;
	v1 =	vld [tilespmem:$0x1FEF0]  }
0x15b: {  	s31 =	sshllo.u32 s25, $0x1;
	v3 =	vadd.f32 v7, v3;
	v7 =	vmul.u32 $0x8, v61  }
0x15c: {  	v62 =	vmov s1;
	v63 =	vmov s31  }
0x15d: {  	vm4 =	veq.s32 v62, v49;
	vm5 =	veq.s32 v63, v49;
	v0 =	vperm.xlane v0, v7  }
0x15e: {  	vm4 =	vmor vm4, vm5  }
0x15f: {  	v1 =	vsel vm4, v0, v1;
	v0 =	vld [tilespmem:$0x1FEE0];
	_ =	sdelay $0x2  }
0x160: {  	v5 =	vmul.f32 v2, v5;
	v2 =	vperm.xlane v2, v7  }
0x161: {  	s25 =	sadd.s32 $0x1, s25;
	[tilespmem:$0x4C00] =	vst v3;
	v3 =	vld [tilespmem:$0x1FED0]  }
0x162: {  	p0 =	sne.s32 s25, $0x8;
	v2 =	vsel vm4, v2, v0;
	v0 =	vld [tilespmem:$0x1FF00]  }
.Ltmp2:
0x163: {  	_ = 	snop;
	(pc) =	sbr.rel @p0 .LBB2_5-.Ltmp2, $3  }
0x164: {  	_ = 	snop  }
0x165: {  	v4 =	vperm.xlane v4, v7;
	v5 =	vperm.xlane v5, v7;
	_ =	sdelay $0x1  }
0x166: {  	v3 =	vsel vm4, v4, v3;
	v0 =	vsel vm4, v5, v0  }
0x167: {  	s23 =	sadd.s32 $0x1, s23  }
0x168: {  	p0 =	sne.s32 s23, $0x4  }
.Ltmp3:
0x169: {  	_ = 	snop;
	(pc) =	sbr.rel @p0 .LBB2_4-.Ltmp3, $4  }
0x16a: {  	[tilespmem:s24+$0x4A00] =	vst v3  }
0x16b: {  	[tilespmem:s24+$0x4A80] =	vst v1  }
0x16c: {  	[tilespmem:s24+$0x4B00] =	vst v2  }
0x16d: {  	[tilespmem:s24+$0x4B80] =	vst v0  }
0x16e: {  	s1 =	simm.s32 $0x4800  }
0x16f: {  	[hbm4b:s6+s4] =	stream.linear.scatter [tilespmem:s1], [sflag:$0x1], $0x200, $0x38;
	[tilespmem:$0x4D00] =	vst v63  }
0x170: {  	_ =	swait.ge [sflag:s13], $0x200  }
0x171: {  	[sflag:s13] =	ssyncset.done $0x0  }
0x172: {  	s29 =	simm.s32 $0x4A00;
	[sflag:s13] =	ssyncadd.s32 $0xFFFFFE00  }
0x173: {  	[hbm4b:s8+s4] =	stream.linear.scatter [tilespmem:s29], [sflag:$0x1], $0x40, $0x38;
	[tilespmem:$0x4D00] =	vst v63  }
0x174: {  	_ =	swait.ge [sflag:s13], $0x40  }
0x175: {  	[sflag:s13] =	ssyncset.done $0x0  }
0x176: {  	s30 =	simm.s32 $0x4A80;
	[sflag:s13] =	ssyncadd.s32 $0xFFFFFFC0  }
0x177: {  	[hbm4b:s9+s4] =	stream.linear.scatter [tilespmem:s30], [sflag:$0x1], $0x40, $0x38;
	[tilespmem:$0x4D00] =	vst v63  }
0x178: {  	_ =	swait.ge [sflag:s13], $0x40  }
0x179: {  	[sflag:s13] =	ssyncset.done $0x0  }
0x17a: {  	s31 =	simm.s32 $0x4B00;
	[sflag:s13] =	ssyncadd.s32 $0xFFFFFFC0  }
0x17b: {  	[hbm4b:s7+s4] =	stream.linear.scatter [tilespmem:s31], [sflag:$0x1], $0x40, $0x38;
	[tilespmem:$0x4D00] =	vst v63  }
0x17c: {  	_ =	swait.ge [sflag:s13], $0x40  }
0x17d: {  	[sflag:s13] =	ssyncset.done $0x0  }
0x17e: {  	[sflag:s13] =	ssyncadd.s32 $0xFFFFFFC0  }
0x17f: {  	[hbm4b:s10+s4] =	stream.linear.scatter [tilespmem:s19], [sflag:$0x1], $0x40, $0x38;
	[tilespmem:$0x4D00] =	vst v63  }
0x180: {  	s21 =	sadd.s32 $0x1, s21;
	_ =	swait.ge [sflag:s13], $0x40  }
0x181: {  	p0 =	sne.s32 s21, s12;
	[sflag:s13] =	ssyncset.done $0x0  }
.Ltmp4:
0x182: {  	[sflag:s13] =	ssyncadd.s32 $0xFFFFFFC0;
	(pc) =	sbr.rel @p0 .LBB2_1-.Ltmp4, $4  }
0x183: {  	[hbm4b:s11+s4] =	stream.linear.scatter [tilespmem:s20], [sflag:$0x1], $0x100, $0x38;
	[tilespmem:$0x4D00] =	vst v63  }
0x184: {  	_ =	swait.ge [sflag:s13], $0x100  }
0x185: {  	[sflag:s13] =	ssyncset.done $0x0  }
0x186: {  	[sflag:s13] =	ssyncadd.s32 $0xFFFFFF00  }
0x187: {  	_ =	sfence.sel $0x180000  }
0x188: {  	[bflag:$0x0] =	sbarrier.arrive $0xFFFF  }
0x189: {  	_ =	strace $0x90000047  }
0x18a: {  	s0 =	stileid.u32;
	[bflag:$0x2] =	sbarrier.arrive $0xFFFF  }
0x18b: {  	p0 =	sne.s32 s0, $0x0;
	s0 =	rddreg [dreg:$0x5]  }
0x18c: {  	s0 =	sadd.s32 @!p0 $0x100000, s0  }
0x18d: {  	[sflag:s0] =	ssyncadd.tile.s32 @!p0 $0x1;
	_ =	shalt  }
.Lfunc_end2:
_tile_overlayer_lowered:
.L_overlay_start_2:
0x18e: {  	(tag) =	ssettag $0x2  }
0x18f: {  	s0 =	rddreg [dreg:$0x0];
	s2 =	stileid.u32  }
0x190: {  	s1 =	rddreg [dreg:$0x1];
	p0 =	sne.s32 s2, $0x0  }
0x191: {  	s3 =	rddreg [dreg:$0x2];
	[bflag:$0x3] =	sbarrier.arrive $0xFFFF;
	s2 =	simm.s32 @!p0 $0x1C01  }
0x192: {  	[timem:s3], [sflag:s2] =	dma.local @!p0 [hbm:s0], s1  }
0x193: {  	s0 =	simm.s32 @!p0 $0x1  }
0x194: {  	_ =	swait.ge @!p0 [sflag:s0], s1  }
0x195: {  	s1 =	ssub.s32 @!p0 $0x0, s1;
	[sflag:s0] =	ssyncset.done @!p0 $0x0  }
0x196: {  	[sflag:s0] =	ssyncadd.s32 @!p0 s1  }
0x197: {  	[bflag:$0x3] =	sbarrier.arrive $0xFFFF  }
0x198: {  	_ =	shalt  }

</sc_bundles>
